<compile_context>
chip_gen: v7x
topology: tpu7x:2x2x1
jax: 0.10.2.dev20260603
libtpu: 0.0.44.dev20260713+nightly
codegen_flags: <defaults>
</compile_context>

<pallas_src>
import functools

import jax
import jax.numpy as jnp
from jax import lax
from jax.experimental import pallas as pl
from jax.experimental.pallas import tpu as pltpu
from jax.experimental.pallas import tpu_sc as plsc

K_NB = 10
N_CLASSES = 1000
BIG_I32 = 2**30



def _topk_body(nq, blk, n_keys, n_blocks,
               q_ref, k_ref, od_ref, oi_ref,
               dist_s, rund_s, runi_s):
    i = pl.program_id(0)
    lane16 = lax.broadcasted_iota(jnp.int32, (nq, 16), 1)

    @pl.when(i == 0)
    def _init():
        rund_s[...] = jnp.where(lane16 < K_NB, jnp.inf, -jnp.inf).astype(jnp.float32)
        runi_s[...] = jnp.zeros((nq, 16), jnp.int32)

    q = q_ref[...]
    k = k_ref[...]
    q_sq = jnp.sum(q * q, axis=1, keepdims=True)
    k_sq = jnp.sum(k * k, axis=1)
    kiota = i * blk + lax.broadcasted_iota(jnp.int32, (blk,), 0)
    k_sq = jnp.where(kiota < n_keys, k_sq, jnp.inf)
    mm = lax.dot_general(q, k, (((1,), (1,)), ((), ())),
                         preferred_element_type=jnp.float32)
    gidx = i * blk + lax.broadcasted_iota(jnp.int32, (nq, blk), 1)
    dist = (q_sq + k_sq[None, :]) - 2.0 * mm
    dist_s[...] = dist

    thr = jnp.max(rund_s[...], axis=1, keepdims=True)
    bm = jnp.min(dist, axis=1, keepdims=True)
    go = jnp.any(bm < thr)

    @pl.when(go)
    def _merge():
        cnt = jnp.sum((dist < thr).astype(jnp.int32), axis=1)
        rounds = jnp.max(cnt)

        for j in range(K_NB):
            @pl.when(j < rounds)
            def _round():
                d = dist_s[...]
                m = jnp.min(d, axis=1, keepdims=True)
                am = jnp.min(jnp.where(d == m, gidx, BIG_I32),
                             axis=1, keepdims=True)
                dist_s[...] = jnp.where(gidx == am, jnp.inf, d)

                run_d = rund_s[...]
                run_i = runi_s[...]
                rm = jnp.max(run_d, axis=1, keepdims=True)
                slot = jnp.min(jnp.where(run_d == rm, lane16, BIG_I32),
                               axis=1, keepdims=True)
                sel = (lane16 == slot) & (m < rm)
                rund_s[...] = jnp.where(sel, m, run_d)
                runi_s[...] = jnp.where(sel, am, run_i)

    @pl.when(i == n_blocks - 1)
    def _finalize():
        d = jnp.where(lane16 < K_NB, rund_s[...], jnp.inf)
        ii = runi_s[...]
        outd = jnp.zeros((nq, 16), jnp.float32)
        outi = jnp.zeros((nq, 16), jnp.int32)
        for j in range(K_NB):
            m = jnp.min(d, axis=1, keepdims=True)
            ai = jnp.min(jnp.where(d == m, ii, BIG_I32), axis=1, keepdims=True)
            outd = jnp.where(lane16 == j, m, outd)
            outi = jnp.where(lane16 == j, ai, outi)
            d = jnp.where((d == m) & (ii == ai), jnp.inf, d)
        od_ref[...] = outd
        oi_ref[...] = outi


def _topk_call(queries, keys, blk=8192):
    nq = queries.shape[0]
    n_keys = keys.shape[0]
    n_blocks = -(-n_keys // blk)
    body = functools.partial(_topk_body, nq, blk, n_keys, n_blocks)
    od, oi = pl.pallas_call(
        body,
        grid=(n_blocks,),
        in_specs=[
            pl.BlockSpec((nq, 64), lambda i: (0, 0)),
            pl.BlockSpec((blk, 64), lambda i: (i, 0)),
        ],
        out_specs=[
            pl.BlockSpec((nq, 16), lambda i: (0, 0)),
            pl.BlockSpec((nq, 16), lambda i: (0, 0)),
        ],
        out_shape=[
            jax.ShapeDtypeStruct((nq, 16), jnp.float32),
            jax.ShapeDtypeStruct((nq, 16), jnp.int32),
        ],
        scratch_shapes=[
            pltpu.VMEM((nq, blk), jnp.float32),
            pltpu.VMEM((nq, 16), jnp.float32),
            pltpu.VMEM((nq, 16), jnp.int32),
        ],
    )(queries, keys)
    return od, oi



def _gather_call(labels, idx_flat):
    n_idx = idx_flat.shape[0]
    info = plsc.get_sparse_core_info()
    nc, ns = info.num_cores, info.num_subcores
    nw = nc * ns
    bpw = n_idx // nw
    mesh = plsc.VectorSubcoreMesh(core_axis_name="c", subcore_axis_name="s",
                                  num_cores=nc)

    @functools.partial(
        pl.kernel, mesh=mesh,
        out_type=jax.ShapeDtypeStruct((n_idx,), jnp.int32),
        scratch_types=[
            pltpu.VMEM((bpw,), jnp.int32),
            pltpu.VMEM((bpw,), jnp.int32),
            pltpu.SemaphoreType.DMA,
        ],
    )
    def _gather(tab_hbm, idx_hbm, out_hbm, idx_v, out_v, sem):
        wid = lax.axis_index("s") * nc + lax.axis_index("c")
        base = wid * bpw
        pltpu.sync_copy(idx_hbm.at[pl.ds(base, bpw)], idx_v)
        pltpu.async_copy(tab_hbm.at[idx_v], out_v, sem).wait()
        pltpu.sync_copy(out_v, out_hbm.at[pl.ds(base, bpw)])

    return _gather(labels, idx_flat)



def _vote_body(nq, nl_ref, o_ref):
    ciota = lax.broadcasted_iota(jnp.int32, (nq, 1024), 1)
    counts = jnp.zeros((nq, 1024), jnp.int32)
    for j in range(K_NB):
        counts = counts + (ciota == nl_ref[:, j:j + 1]).astype(jnp.int32)
    cmax = jnp.max(counts, axis=1, keepdims=True)
    o_ref[...] = jnp.min(jnp.where(counts == cmax, ciota, BIG_I32),
                         axis=1, keepdims=True)


def _vote_call(nl):
    nq = nl.shape[0]
    return pl.pallas_call(
        functools.partial(_vote_body, nq),
        out_shape=jax.ShapeDtypeStruct((nq, 1), jnp.int32),
    )(nl)



def kernel(queries, keys, labels):
    nq = queries.shape[0]
    labels = labels.astype(jnp.int32)
    top_d16, top_i16 = _topk_call(queries, keys)
    top_d = top_d16[:, :K_NB]
    top_i = top_i16[:, :K_NB]

    info = plsc.get_sparse_core_info()
    nw16 = 16 * info.num_cores * info.num_subcores
    n_idx = nq * K_NB
    pad = -n_idx % nw16
    idx_flat = jnp.concatenate(
        [top_i.reshape(-1), jnp.zeros((pad,), jnp.int32)])
    g = _gather_call(labels, idx_flat)
    nl = g[:n_idx].reshape(nq, K_NB)

    pred = _vote_call(nl).reshape(nq)
    return pred, top_d, nl

# --- scband reference (transcript-rebuilt; emitter-appended) ---
"""Pipeline reference for scband-multi-media-sentence-model-23768349016419 (READ-ONLY COPY).

The authoritative reference and input builder live on the scoring server;
editing this copy changes nothing except your own understanding.
"""

import jax, jax.numpy as jnp
import numpy as np

K_NEIGHBORS = 10
NUM_CLASSES = 1000

def setup_inputs(seed: int = 0) -> dict:
    key = jax.random.key(seed)
    k1, k2, k3 = jax.random.split(key, 3)
    queries = jax.random.normal(k1, (128, 64), dtype=jnp.float32)
    keys = jax.random.normal(k2, (1000000, 64), dtype=jnp.float32)
    labels = jax.random.randint(k3, (1000000,), 0, NUM_CLASSES)
    return {"queries": queries, "keys": keys, "labels": labels}

def reference(queries, keys, labels):
    # FAISS IndexFlatL2 equivalent: exact squared-L2 distances, k nearest neighbors.
    q_sq = jnp.sum(queries * queries, axis=1, keepdims=True)       # [Q, 1]
    k_sq = jnp.sum(keys * keys, axis=1)                            # [K]
    dists = q_sq + k_sq[None, :] - 2.0 * (queries @ keys.T)        # [Q, K]
    neg_topk_d, topk_idx = jax.lax.top_k(-dists, K_NEIGHBORS)      # smallest distances
    topk_d = -neg_topk_d                                           # [Q, k]
    neighbor_labels = jnp.take(labels, topk_idx, axis=0)           # [Q, k] gather
    # FaissKNeighbors.predict: majority vote over the k neighbor labels
    counts = jnp.sum(jax.nn.one_hot(neighbor_labels, NUM_CLASSES, dtype=jnp.float32), axis=1)  # [Q, C]
    pred = jnp.argmax(counts, axis=1)                              # [Q]
    # predict_most_similar analogue: (label, distance) pairs for each neighbor
    return pred, topk_d, neighbor_labels

if __name__ == "__main__":
    import jax
    _d = setup_inputs()
    print(jax.jit(kernel)(*tuple(_d.values())))

</pallas_src>

<mosaic_0001>
#map = affine_map<(d0, d1) -> (0)>
module attributes {stable_mosaic.version = 14 : i64} {
  func.func @_gather(%arg0: i32, %arg1: i32, %arg2: memref<1000000xi32, #tpu.memory_space<hbm>>, %arg3: memref<1536xi32, #tpu.memory_space<hbm>>, %arg4: memref<1536xi32, #tpu.memory_space<hbm>>, %arg5: memref<48xi32, #tpu.memory_space<vmem>>, %arg6: memref<48xi32, #tpu.memory_space<vmem>>, %arg7: memref<!tpu.dma_semaphore, #tpu.memory_space<semaphore_mem>>) attributes {dimension_semantics = [#tpu.dimension_semantics<core_parallel>, #tpu.dimension_semantics<subcore_parallel>], iteration_bounds = array<i64: 2, 16>, scalar_prefetch = 0 : i64, scratch_operands = 3 : i64, tpu.core_type = #tpu.core_type<sc_vector_subcore>, window_params = [{transform_indices = #map}, {transform_indices = #map}, {transform_indices = #map}]} {
    %mul3A = arith.constant 2 : i32
    %mul3A_0 = arith.muli %arg1, %mul3A : i32
    %add3A = arith.addi %mul3A_0, %arg0 : i32
    %mul3A_1 = arith.constant 48 : i32
    %mul3A_2 = arith.muli %add3A, %mul3A_1 : i32
    "tpu.region"() ({
      %run_scoped3A = tpu.sem_alloc : memref<!tpu.dma_semaphore, #tpu.memory_space<semaphore_mem>>
      %dma_start3A_5 = tpu.memref_slice %arg3[%mul3A_2] : memref<1536xi32, #tpu.memory_space<hbm>> -> memref<48xi32, #tpu.memory_space<hbm>>
      %dma_start3A_6 = tpu.memref_slice %arg3[%mul3A_2] : memref<1536xi32, #tpu.memory_space<hbm>> -> memref<48xi32, #tpu.memory_space<hbm>>
      tpu.enqueue_dma source(%dma_start3A_6 : memref<48xi32, #tpu.memory_space<hbm>>) target(%arg5 : memref<48xi32, #tpu.memory_space<vmem>>) target_semaphore(%run_scoped3A : memref<!tpu.dma_semaphore, #tpu.memory_space<semaphore_mem>>)
      %dma_wait3A_7 = tpu.memref_slice %arg3[%mul3A_2] : memref<1536xi32, #tpu.memory_space<hbm>> -> memref<48xi32, #tpu.memory_space<hbm>>
      %dma_wait3A_8 = tpu.memref_slice %arg3[%mul3A_2] : memref<1536xi32, #tpu.memory_space<hbm>> -> memref<48xi32, #tpu.memory_space<hbm>>
      tpu.wait_dma2 semaphore(%run_scoped3A : memref<!tpu.dma_semaphore, #tpu.memory_space<semaphore_mem>>) src(%dma_wait3A_8 : memref<48xi32, #tpu.memory_space<hbm>>) dst(%arg5 : memref<48xi32, #tpu.memory_space<vmem>>)
      tpu.yield
    }) : () -> ()
    %dma_start3A = arith.constant 0 : i32
    %dma_start3A_3 = tpu.memref_slice %arg2[%dma_start3A] : memref<1000000xi32, #tpu.memory_space<hbm>> -> memref<1000000xi32, #tpu.memory_space<hbm>>
    tpu.enqueue_indirect_dma source(%dma_start3A_3 : memref<1000000xi32, #tpu.memory_space<hbm>>) target(%arg6 : memref<48xi32, #tpu.memory_space<vmem>>) offsets(%arg5 : memref<48xi32, #tpu.memory_space<vmem>>) semaphore(%arg7 : memref<!tpu.dma_semaphore, #tpu.memory_space<semaphore_mem>>)
    %dma_wait3A = arith.constant 0 : i32
    %dma_wait3A_4 = tpu.memref_slice %arg2[%dma_wait3A] : memref<1000000xi32, #tpu.memory_space<hbm>> -> memref<1000000xi32, #tpu.memory_space<hbm>>
    tpu.wait_indirect_dma semaphore(%arg7 : memref<!tpu.dma_semaphore, #tpu.memory_space<semaphore_mem>>) src(%dma_wait3A_4 : memref<1000000xi32, #tpu.memory_space<hbm>>) dst(%arg6 : memref<48xi32, #tpu.memory_space<vmem>>)
    "tpu.region"() ({
      %run_scoped3A = tpu.sem_alloc : memref<!tpu.dma_semaphore, #tpu.memory_space<semaphore_mem>>
      %dma_start3A_5 = tpu.memref_slice %arg4[%mul3A_2] : memref<1536xi32, #tpu.memory_space<hbm>> -> memref<48xi32, #tpu.memory_space<hbm>>
      %dma_start3A_6 = tpu.memref_slice %arg4[%mul3A_2] : memref<1536xi32, #tpu.memory_space<hbm>> -> memref<48xi32, #tpu.memory_space<hbm>>
      tpu.enqueue_dma source(%arg6 : memref<48xi32, #tpu.memory_space<vmem>>) target(%dma_start3A_6 : memref<48xi32, #tpu.memory_space<hbm>>) target_semaphore(%run_scoped3A : memref<!tpu.dma_semaphore, #tpu.memory_space<semaphore_mem>>)
      %dma_wait3A_7 = tpu.memref_slice %arg4[%mul3A_2] : memref<1536xi32, #tpu.memory_space<hbm>> -> memref<48xi32, #tpu.memory_space<hbm>>
      %dma_wait3A_8 = tpu.memref_slice %arg4[%mul3A_2] : memref<1536xi32, #tpu.memory_space<hbm>> -> memref<48xi32, #tpu.memory_space<hbm>>
      tpu.wait_dma2 semaphore(%run_scoped3A : memref<!tpu.dma_semaphore, #tpu.memory_space<semaphore_mem>>) src(%arg6 : memref<48xi32, #tpu.memory_space<vmem>>) dst(%dma_wait3A_8 : memref<48xi32, #tpu.memory_space<hbm>>)
      tpu.yield
    }) : () -> ()
    return
  }
}

module attributes {stable_mosaic.version = 14 : i64} {
  func.func @_topk_body(%arg0: i32, %arg1: memref<128x64xf32, #tpu.memory_space<vmem>>, %arg2: memref<8192x64xf32, #tpu.memory_space<vmem>>, %arg3: memref<128x16xf32, #tpu.memory_space<vmem>>, %arg4: memref<128x16xi32, #tpu.memory_space<vmem>>, %arg5: memref<128x8192xf32, #tpu.memory_space<vmem>>, %arg6: memref<128x16xf32, #tpu.memory_space<vmem>>, %arg7: memref<128x16xi32, #tpu.memory_space<vmem>>) attributes {dimension_semantics = [#tpu.dimension_semantics<arbitrary>], iteration_bounds = array<i64: 123>, scalar_prefetch = 0 : i64, scratch_operands = 3 : i64, tpu.core_type = #tpu.core_type<tc>, window_params = [{pipeline_mode = #tpu.pipeline_mode<synchronous>, transform_indices = @transform_0, window_bounds = array<i64: 128, 64>}, {transform_indices = @transform_1, window_bounds = array<i64: 8192, 64>}, {pipeline_mode = #tpu.pipeline_mode<synchronous>, transform_indices = @transform_2, window_bounds = array<i64: 128, 16>}, {pipeline_mode = #tpu.pipeline_mode<synchronous>, transform_indices = @transform_3, window_bounds = array<i64: 128, 16>}]} {
    %iota3A = tpu.iota {dimensions = array<i32: 1>} : vector<128x16xi32>
    %eq3A = arith.constant 0 : i32
    %eq3A_0 = arith.cmpi eq, %arg0, %eq3A : i32
    %convert_element_type3A = arith.extui %eq3A_0 : i1 to i32
    %cond3A = arith.constant 0 : i32
    %cond3A_1 = arith.cmpi ne, %convert_element_type3A, %cond3A : i32
    scf.if %cond3A_1 {
      %lt3A_61 = arith.constant 10 : i32
      %lt3A_62 = vector.broadcast %lt3A_61 : i32 to vector<128x16xi32>
      %lt3A_63 = arith.cmpi slt, %iota3A, %lt3A_62 : vector<128x16xi32>
      %jit3A_64 = arith.constant 0x7F800000 : f32
      %jit3A_65 = arith.constant 0xFF800000 : f32
      %broadcast_in_dim3A_66 = vector.broadcast %jit3A_64 : f32 to vector<128x16xf32>
      %broadcast_in_dim3A_67 = vector.broadcast %jit3A_65 : f32 to vector<128x16xf32>
      %select_n3A_68 = arith.select %lt3A_63, %broadcast_in_dim3A_66, %broadcast_in_dim3A_67 : vector<128x16xi1>, vector<128x16xf32>
      %swap3A_69 = arith.constant 0 : index
      %swap3A_70 = arith.constant 0 : index
      %swap3A_71 = vector.load %arg6[%swap3A_69, %swap3A_70] : memref<128x16xf32, #tpu.memory_space<vmem>>, vector<128x16xf32>
      tpu.vector_store %arg6[%swap3A_69, %swap3A_70], %select_n3A_68 {strides = array<i32>} : memref<128x16xf32, #tpu.memory_space<vmem>>, vector<128x16xf32>,
      %broadcast_in_dim3A_72 = arith.constant 0 : i32
      %broadcast_in_dim3A_73 = vector.broadcast %broadcast_in_dim3A_72 : i32 to vector<128x16xi32>
      %swap3A_74 = arith.constant 0 : index
      %swap3A_75 = arith.constant 0 : index
      %swap3A_76 = vector.load %arg7[%swap3A_74, %swap3A_75] : memref<128x16xi32, #tpu.memory_space<vmem>>, vector<128x16xi32>
      tpu.vector_store %arg7[%swap3A_74, %swap3A_75], %broadcast_in_dim3A_73 {strides = array<i32>} : memref<128x16xi32, #tpu.memory_space<vmem>>, vector<128x16xi32>,
    } else {
    }
    %get3A = arith.constant 0 : index
    %get3A_2 = arith.constant 0 : index
    %get3A_3 = vector.load %arg1[%get3A, %get3A_2] : memref<128x64xf32, #tpu.memory_space<vmem>>, vector<128x64xf32>
    %get3A_4 = arith.constant 0 : index
    %get3A_5 = arith.constant 0 : index
    %get3A_6 = vector.load %arg2[%get3A_4, %get3A_5] : memref<8192x64xf32, #tpu.memory_space<vmem>>, vector<8192x64xf32>
    %mul3A = arith.mulf %get3A_3, %get3A_3 : vector<128x64xf32>
    %reduce_sum3A = arith.constant dense<0.000000e+00> : vector<128xf32>
    %reduce_sum3A_7 = vector.multi_reduction <add>, %mul3A, %reduce_sum3A [1] : vector<128x64xf32> to vector<128xf32>
    %broadcast_in_dim3A = vector.shape_cast %reduce_sum3A_7 : vector<128xf32> to vector<128x1xf32>
    %mul3A_8 = arith.mulf %get3A_6, %get3A_6 : vector<8192x64xf32>
    %reduce_sum3A_9 = arith.constant dense<0.000000e+00> : vector<8192xf32>
    %reduce_sum3A_10 = vector.multi_reduction <add>, %mul3A_8, %reduce_sum3A_9 [1] : vector<8192x64xf32> to vector<8192xf32>
    %mul3A_11 = arith.constant 8192 : i32
    %mul3A_12 = arith.muli %arg0, %mul3A_11 : i32
    %iota3A_13 = tpu.iota {dimensions = array<i32: 1>} : vector<1x8192xi32>
    %iota3A_14 = vector.shape_cast %iota3A_13 : vector<1x8192xi32> to vector<8192xi32>
    %add3A = vector.broadcast %mul3A_12 : i32 to vector<8192xi32>
    %add3A_15 = arith.addi %add3A, %iota3A_14 : vector<8192xi32>
    %lt3A = arith.constant 1000000 : i32
    %lt3A_16 = vector.broadcast %lt3A : i32 to vector<8192xi32>
    %lt3A_17 = arith.cmpi slt, %add3A_15, %lt3A_16 : vector<8192xi32>
    %jit3A = arith.constant 0x7F800000 : f32
    %broadcast_in_dim3A_18 = vector.broadcast %jit3A : f32 to vector<8192xf32>
    %select_n3A = arith.select %lt3A_17, %reduce_sum3A_10, %broadcast_in_dim3A_18 : vector<8192xi1>, vector<8192xf32>
    %dot_general3A = arith.constant dense<0.000000e+00> : vector<128x8192xf32>
    %dot_general3A_19 = tpu.matmul %get3A_3, %get3A_6, %dot_general3A {dimension_numbers = #tpu.dot_dimension_numbers<[1], [1], [0], [0], [0, 0, 1, 0], [], []>, transpose_lhs_hint = false} : vector<128x64xf32>, vector<8192x64xf32>, vector<128x8192xf32> -> vector<128x8192xf32>
    %mul3A_20 = arith.constant 8192 : i32
    %mul3A_21 = arith.muli %arg0, %mul3A_20 : i32
    %iota3A_22 = tpu.iota {dimensions = array<i32: 1>} : vector<128x8192xi32>
    %add3A_23 = vector.broadcast %mul3A_21 : i32 to vector<128x8192xi32>
    %add3A_24 = arith.addi %add3A_23, %iota3A_22 : vector<128x8192xi32>
    %broadcast_in_dim3A_25 = vector.shape_cast %select_n3A : vector<8192xf32> to vector<1x8192xf32>
    %add3A_26 = vector.broadcast %broadcast_in_dim3A : vector<128x1xf32> to vector<128x8192xf32>
    %add3A_27 = vector.broadcast %broadcast_in_dim3A_25 : vector<1x8192xf32> to vector<128x8192xf32>
    %add3A_28 = arith.addf %add3A_26, %add3A_27 : vector<128x8192xf32>
    %mul3A_29 = arith.constant 2.000000e+00 : f32
    %mul3A_30 = vector.broadcast %mul3A_29 : f32 to vector<128x8192xf32>
    %mul3A_31 = arith.mulf %mul3A_30, %dot_general3A_19 : vector<128x8192xf32>
    %sub3A = arith.subf %add3A_28, %mul3A_31 : vector<128x8192xf32>
    %swap3A = arith.constant 0 : index
    %swap3A_32 = arith.constant 0 : index
    %swap3A_33 = vector.load %arg5[%swap3A, %swap3A_32] : memref<128x8192xf32, #tpu.memory_space<vmem>>, vector<128x8192xf32>
    tpu.vector_store %arg5[%swap3A, %swap3A_32], %sub3A {strides = array<i32>} : memref<128x8192xf32, #tpu.memory_space<vmem>>, vector<128x8192xf32>,
    %get3A_34 = arith.constant 0 : index
    %get3A_35 = arith.constant 0 : index
    %get3A_36 = vector.load %arg6[%get3A_34, %get3A_35] : memref<128x16xf32, #tpu.memory_space<vmem>>, vector<128x16xf32>
    %reduce_max3A = arith.constant dense<0xFF800000> : vector<128xf32>
    %reduce_max3A_37 = vector.multi_reduction <maximumf>, %get3A_36, %reduce_max3A [1] : vector<128x16xf32> to vector<128xf32>
    %broadcast_in_dim3A_38 = vector.shape_cast %reduce_max3A_37 : vector<128xf32> to vector<128x1xf32>
    %reduce_min3A = arith.constant dense<0x7F800000> : vector<128xf32>
    %reduce_min3A_39 = vector.multi_reduction <minimumf>, %sub3A, %reduce_min3A [1] : vector<128x8192xf32> to vector<128xf32>
    %broadcast_in_dim3A_40 = vector.shape_cast %reduce_min3A_39 : vector<128xf32> to vector<128x1xf32>
    %lt3A_41 = arith.cmpf olt, %broadcast_in_dim3A_40, %broadcast_in_dim3A_38 : vector<128x1xf32>
    %reduce_or3A = arith.constant 1.000000e+00 : f32
    %reduce_or3A_42 = arith.constant 0.000000e+00 : f32
    %reduce_or3A_43 = vector.broadcast %reduce_or3A : f32 to vector<128x1xf32>
    %reduce_or3A_44 = vector.broadcast %reduce_or3A_42 : f32 to vector<128x1xf32>
    %reduce_or3A_45 = arith.select %lt3A_41, %reduce_or3A_43, %reduce_or3A_44 : vector<128x1xi1>, vector<128x1xf32>
    %reduce_or3A_46 = vector.shape_cast %reduce_or3A_45 : vector<128x1xf32> to vector<1x128x1xf32>
    %reduce_or3A_47 = arith.constant dense<0xFF800000> : vector<1xf32>
    %reduce_or3A_48 = vector.multi_reduction <maximumf>, %reduce_or3A_46, %reduce_or3A_47 [1, 2] : vector<1x128x1xf32> to vector<1xf32>
    %reduce_or3A_49 = vector.shape_cast %reduce_or3A_48 : vector<1xf32> to vector<1x1x1xf32>
    %reduce_or3A_50 = vector.extract %reduce_or3A_49[0, 0, 0] : f32 from vector<1x1x1xf32>
    %reduce_or3A_51 = arith.constant 0.000000e+00 : f32
    %reduce_or3A_52 = arith.cmpf ogt, %reduce_or3A_50, %reduce_or3A_51 : f32
    %convert_element_type3A_53 = arith.extui %reduce_or3A_52 : i1 to i32
    %cond3A_54 = arith.constant 0 : i32
    %cond3A_55 = arith.cmpi ne, %convert_element_type3A_53, %cond3A_54 : i32
    scf.if %cond3A_55 {
      %lt3A_61 = vector.broadcast %broadcast_in_dim3A_38 : vector<128x1xf32> to vector<128x8192xf32>
      %lt3A_62 = arith.cmpf olt, %sub3A, %lt3A_61 : vector<128x8192xf32>
      %convert_element_type3A_63 = arith.extui %lt3A_62 : vector<128x8192xi1> to vector<128x8192xi32>
      %reduce_sum3A_64 = arith.constant dense<0> : vector<128xi32>
      %reduce_sum3A_65 = vector.multi_reduction <add>, %convert_element_type3A_63, %reduce_sum3A_64 [1] : vector<128x8192xi32> to vector<128xi32>
      %reduce_max3A_66 = vector.shape_cast %reduce_sum3A_65 : vector<128xi32> to vector<1x128xi32>
      %reduce_max3A_67 = arith.constant dense<-2147483648> : vector<1xi32>
      %reduce_max3A_68 = vector.multi_reduction <maxsi>, %reduce_max3A_66, %reduce_max3A_67 [1] : vector<1x128xi32> to vector<1xi32>
      %reduce_max3A_69 = vector.shape_cast %reduce_max3A_68 : vector<1xi32> to vector<1x1xi32>
      %reduce_max3A_70 = vector.extract %reduce_max3A_69[0, 0] : i32 from vector<1x1xi32>
      %gt3A = arith.constant 0 : i32
      %gt3A_71 = arith.cmpi sgt, %reduce_max3A_70, %gt3A : i32
      %convert_element_type3A_72 = arith.extui %gt3A_71 : i1 to i32
      %cond3A_73 = arith.constant 0 : i32
      %cond3A_74 = arith.cmpi ne, %convert_element_type3A_72, %cond3A_73 : i32
      scf.if %cond3A_74 {
        %get3A_120 = arith.constant 0 : index
        %get3A_121 = arith.constant 0 : index
        %get3A_122 = vector.load %arg5[%get3A_120, %get3A_121] : memref<128x8192xf32, #tpu.memory_space<vmem>>, vector<128x8192xf32>
        %reduce_min3A_123 = arith.constant dense<0x7F800000> : vector<128xf32>
        %reduce_min3A_124 = vector.multi_reduction <minimumf>, %get3A_122, %reduce_min3A_123 [1] : vector<128x8192xf32> to vector<128xf32>
        %broadcast_in_dim3A_125 = vector.shape_cast %reduce_min3A_124 : vector<128xf32> to vector<128x1xf32>
        %eq3A_126 = vector.broadcast %broadcast_in_dim3A_125 : vector<128x1xf32> to vector<128x8192xf32>
        %eq3A_127 = arith.cmpf oeq, %get3A_122, %eq3A_126 : vector<128x8192xf32>
        %jit3A_128 = arith.constant 1073741824 : i32
        %broadcast_in_dim3A_129 = vector.broadcast %jit3A_128 : i32 to vector<128x8192xi32>
        %select_n3A_130 = arith.select %eq3A_127, %add3A_24, %broadcast_in_dim3A_129 : vector<128x8192xi1>, vector<128x8192xi32>
        %reduce_min3A_131 = arith.constant dense<2147483647> : vector<128xi32>
        %reduce_min3A_132 = vector.multi_reduction <minsi>, %select_n3A_130, %reduce_min3A_131 [1] : vector<128x8192xi32> to vector<128xi32>
        %broadcast_in_dim3A_133 = vector.shape_cast %reduce_min3A_132 : vector<128xi32> to vector<128x1xi32>
        %eq3A_134 = vector.broadcast %broadcast_in_dim3A_133 : vector<128x1xi32> to vector<128x8192xi32>
        %eq3A_135 = arith.cmpi eq, %add3A_24, %eq3A_134 : vector<128x8192xi32>
        %jit3A_136 = arith.constant 0x7F800000 : f32
        %broadcast_in_dim3A_137 = vector.broadcast %jit3A_136 : f32 to vector<128x8192xf32>
        %select_n3A_138 = arith.select %eq3A_135, %broadcast_in_dim3A_137, %get3A_122 : vector<128x8192xi1>, vector<128x8192xf32>
        %swap3A_139 = arith.constant 0 : index
        %swap3A_140 = arith.constant 0 : index
        %swap3A_141 = vector.load %arg5[%swap3A_139, %swap3A_140] : memref<128x8192xf32, #tpu.memory_space<vmem>>, vector<128x8192xf32>
        tpu.vector_store %arg5[%swap3A_139, %swap3A_140], %select_n3A_138 {strides = array<i32>} : memref<128x8192xf32, #tpu.memory_space<vmem>>, vector<128x8192xf32>,
        %get3A_142 = arith.constant 0 : index
        %get3A_143 = arith.constant 0 : index
        %get3A_144 = vector.load %arg6[%get3A_142, %get3A_143] : memref<128x16xf32, #tpu.memory_space<vmem>>, vector<128x16xf32>
        %get3A_145 = arith.constant 0 : index
        %get3A_146 = arith.constant 0 : index
        %get3A_147 = vector.load %arg7[%get3A_145, %get3A_146] : memref<128x16xi32, #tpu.memory_space<vmem>>, vector<128x16xi32>
        %reduce_max3A_148 = arith.constant dense<0xFF800000> : vector<128xf32>
        %reduce_max3A_149 = vector.multi_reduction <maximumf>, %get3A_144, %reduce_max3A_148 [1] : vector<128x16xf32> to vector<128xf32>
        %broadcast_in_dim3A_150 = vector.shape_cast %reduce_max3A_149 : vector<128xf32> to vector<128x1xf32>
        %eq3A_151 = vector.broadcast %broadcast_in_dim3A_150 : vector<128x1xf32> to vector<128x16xf32>
        %eq3A_152 = arith.cmpf oeq, %get3A_144, %eq3A_151 : vector<128x16xf32>
        %jit3A_153 = arith.constant 1073741824 : i32
        %broadcast_in_dim3A_154 = vector.broadcast %jit3A_153 : i32 to vector<128x16xi32>
        %select_n3A_155 = arith.select %eq3A_152, %iota3A, %broadcast_in_dim3A_154 : vector<128x16xi1>, vector<128x16xi32>
        %reduce_min3A_156 = arith.constant dense<2147483647> : vector<128xi32>
        %reduce_min3A_157 = vector.multi_reduction <minsi>, %select_n3A_155, %reduce_min3A_156 [1] : vector<128x16xi32> to vector<128xi32>
        %broadcast_in_dim3A_158 = vector.shape_cast %reduce_min3A_157 : vector<128xi32> to vector<128x1xi32>
        %eq3A_159 = vector.broadcast %broadcast_in_dim3A_158 : vector<128x1xi32> to vector<128x16xi32>
        %eq3A_160 = arith.cmpi eq, %iota3A, %eq3A_159 : vector<128x16xi32>
        %lt3A_161 = arith.cmpf olt, %broadcast_in_dim3A_125, %broadcast_in_dim3A_150 : vector<128x1xf32>
        %and3A = vector.broadcast %lt3A_161 : vector<128x1xi1> to vector<128x16xi1>
        %and3A_162 = arith.andi %eq3A_160, %and3A : vector<128x16xi1>
        %broadcast_in_dim3A_163 = vector.shape_cast %broadcast_in_dim3A_125 : vector<128x1xf32> to vector<128x1xf32>
        %broadcast_in_dim3A_164 = vector.broadcast %broadcast_in_dim3A_163 : vector<128x1xf32> to vector<128x16xf32>
        %select_n3A_165 = arith.select %and3A_162, %broadcast_in_dim3A_164, %get3A_144 : vector<128x16xi1>, vector<128x16xf32>
        %swap3A_166 = arith.constant 0 : index
        %swap3A_167 = arith.constant 0 : index
        %swap3A_168 = vector.load %arg6[%swap3A_166, %swap3A_167] : memref<128x16xf32, #tpu.memory_space<vmem>>, vector<128x16xf32>
        tpu.vector_store %arg6[%swap3A_166, %swap3A_167], %select_n3A_165 {strides = array<i32>} : memref<128x16xf32, #tpu.memory_space<vmem>>, vector<128x16xf32>,
        %broadcast_in_dim3A_169 = vector.shape_cast %broadcast_in_dim3A_133 : vector<128x1xi32> to vector<128x1xi32>
        %broadcast_in_dim3A_170 = vector.broadcast %broadcast_in_dim3A_169 : vector<128x1xi32> to vector<128x16xi32>
        %select_n3A_171 = arith.select %and3A_162, %broadcast_in_dim3A_170, %get3A_147 : vector<128x16xi1>, vector<128x16xi32>
        %swap3A_172 = arith.constant 0 : index
        %swap3A_173 = arith.constant 0 : index
        %swap3A_174 = vector.load %arg7[%swap3A_172, %swap3A_173] : memref<128x16xi32, #tpu.memory_space<vmem>>, vector<128x16xi32>
        tpu.vector_store %arg7[%swap3A_172, %swap3A_173], %select_n3A_171 {strides = array<i32>} : memref<128x16xi32, #tpu.memory_space<vmem>>, vector<128x16xi32>,
      } else {
      }
      %gt3A_75 = arith.constant 1 : i32
      %gt3A_76 = arith.cmpi sgt, %reduce_max3A_70, %gt3A_75 : i32
      %convert_element_type3A_77 = arith.extui %gt3A_76 : i1 to i32
      %cond3A_78 = arith.constant 0 : i32
      %cond3A_79 = arith.cmpi ne, %convert_element_type3A_77, %cond3A_78 : i32
      scf.if %cond3A_79 {
        %get3A_120 = arith.constant 0 : index
        %get3A_121 = arith.constant 0 : index
        %get3A_122 = vector.load %arg5[%get3A_120, %get3A_121] : memref<128x8192xf32, #tpu.memory_space<vmem>>, vector<128x8192xf32>
        %reduce_min3A_123 = arith.constant dense<0x7F800000> : vector<128xf32>
        %reduce_min3A_124 = vector.multi_reduction <minimumf>, %get3A_122, %reduce_min3A_123 [1] : vector<128x8192xf32> to vector<128xf32>
        %broadcast_in_dim3A_125 = vector.shape_cast %reduce_min3A_124 : vector<128xf32> to vector<128x1xf32>
        %eq3A_126 = vector.broadcast %broadcast_in_dim3A_125 : vector<128x1xf32> to vector<128x8192xf32>
        %eq3A_127 = arith.cmpf oeq, %get3A_122, %eq3A_126 : vector<128x8192xf32>
        %jit3A_128 = arith.constant 1073741824 : i32
        %broadcast_in_dim3A_129 = vector.broadcast %jit3A_128 : i32 to vector<128x8192xi32>
        %select_n3A_130 = arith.select %eq3A_127, %add3A_24, %broadcast_in_dim3A_129 : vector<128x8192xi1>, vector<128x8192xi32>
        %reduce_min3A_131 = arith.constant dense<2147483647> : vector<128xi32>
        %reduce_min3A_132 = vector.multi_reduction <minsi>, %select_n3A_130, %reduce_min3A_131 [1] : vector<128x8192xi32> to vector<128xi32>
        %broadcast_in_dim3A_133 = vector.shape_cast %reduce_min3A_132 : vector<128xi32> to vector<128x1xi32>
        %eq3A_134 = vector.broadcast %broadcast_in_dim3A_133 : vector<128x1xi32> to vector<128x8192xi32>
        %eq3A_135 = arith.cmpi eq, %add3A_24, %eq3A_134 : vector<128x8192xi32>
        %jit3A_136 = arith.constant 0x7F800000 : f32
        %broadcast_in_dim3A_137 = vector.broadcast %jit3A_136 : f32 to vector<128x8192xf32>
        %select_n3A_138 = arith.select %eq3A_135, %broadcast_in_dim3A_137, %get3A_122 : vector<128x8192xi1>, vector<128x8192xf32>
        %swap3A_139 = arith.constant 0 : index
        %swap3A_140 = arith.constant 0 : index
        %swap3A_141 = vector.load %arg5[%swap3A_139, %swap3A_140] : memref<128x8192xf32, #tpu.memory_space<vmem>>, vector<128x8192xf32>
        tpu.vector_store %arg5[%swap3A_139, %swap3A_140], %select_n3A_138 {strides = array<i32>} : memref<128x8192xf32, #tpu.memory_space<vmem>>, vector<128x8192xf32>,
        %get3A_142 = arith.constant 0 : index
        %get3A_143 = arith.constant 0 : index
        %get3A_144 = vector.load %arg6[%get3A_142, %get3A_143] : memref<128x16xf32, #tpu.memory_space<vmem>>, vector<128x16xf32>
        %get3A_145 = arith.constant 0 : index
        %get3A_146 = arith.constant 0 : index
        %get3A_147 = vector.load %arg7[%get3A_145, %get3A_146] : memref<128x16xi32, #tpu.memory_space<vmem>>, vector<128x16xi32>
        %reduce_max3A_148 = arith.constant dense<0xFF800000> : vector<128xf32>
        %reduce_max3A_149 = vector.multi_reduction <maximumf>, %get3A_144, %reduce_max3A_148 [1] : vector<128x16xf32> to vector<128xf32>
        %broadcast_in_dim3A_150 = vector.shape_cast %reduce_max3A_149 : vector<128xf32> to vector<128x1xf32>
        %eq3A_151 = vector.broadcast %broadcast_in_dim3A_150 : vector<128x1xf32> to vector<128x16xf32>
        %eq3A_152 = arith.cmpf oeq, %get3A_144, %eq3A_151 : vector<128x16xf32>
        %jit3A_153 = arith.constant 1073741824 : i32
        %broadcast_in_dim3A_154 = vector.broadcast %jit3A_153 : i32 to vector<128x16xi32>
        %select_n3A_155 = arith.select %eq3A_152, %iota3A, %broadcast_in_dim3A_154 : vector<128x16xi1>, vector<128x16xi32>
        %reduce_min3A_156 = arith.constant dense<2147483647> : vector<128xi32>
        %reduce_min3A_157 = vector.multi_reduction <minsi>, %select_n3A_155, %reduce_min3A_156 [1] : vector<128x16xi32> to vector<128xi32>
        %broadcast_in_dim3A_158 = vector.shape_cast %reduce_min3A_157 : vector<128xi32> to vector<128x1xi32>
        %eq3A_159 = vector.broadcast %broadcast_in_dim3A_158 : vector<128x1xi32> to vector<128x16xi32>
        %eq3A_160 = arith.cmpi eq, %iota3A, %eq3A_159 : vector<128x16xi32>
        %lt3A_161 = arith.cmpf olt, %broadcast_in_dim3A_125, %broadcast_in_dim3A_150 : vector<128x1xf32>
        %and3A = vector.broadcast %lt3A_161 : vector<128x1xi1> to vector<128x16xi1>
        %and3A_162 = arith.andi %eq3A_160, %and3A : vector<128x16xi1>
        %broadcast_in_dim3A_163 = vector.shape_cast %broadcast_in_dim3A_125 : vector<128x1xf32> to vector<128x1xf32>
        %broadcast_in_dim3A_164 = vector.broadcast %broadcast_in_dim3A_163 : vector<128x1xf32> to vector<128x16xf32>
        %select_n3A_165 = arith.select %and3A_162, %broadcast_in_dim3A_164, %get3A_144 : vector<128x16xi1>, vector<128x16xf32>
        %swap3A_166 = arith.constant 0 : index
        %swap3A_167 = arith.constant 0 : index
        %swap3A_168 = vector.load %arg6[%swap3A_166, %swap3A_167] : memref<128x16xf32, #tpu.memory_space<vmem>>, vector<128x16xf32>
        tpu.vector_store %arg6[%swap3A_166, %swap3A_167], %select_n3A_165 {strides = array<i32>} : memref<128x16xf32, #tpu.memory_space<vmem>>, vector<128x16xf32>,
        %broadcast_in_dim3A_169 = vector.shape_cast %broadcast_in_dim3A_133 : vector<128x1xi32> to vector<128x1xi32>
        %broadcast_in_dim3A_170 = vector.broadcast %broadcast_in_dim3A_169 : vector<128x1xi32> to vector<128x16xi32>
        %select_n3A_171 = arith.select %and3A_162, %broadcast_in_dim3A_170, %get3A_147 : vector<128x16xi1>, vector<128x16xi32>
        %swap3A_172 = arith.constant 0 : index
        %swap3A_173 = arith.constant 0 : index
        %swap3A_174 = vector.load %arg7[%swap3A_172, %swap3A_173] : memref<128x16xi32, #tpu.memory_space<vmem>>, vector<128x16xi32>
        tpu.vector_store %arg7[%swap3A_172, %swap3A_173], %select_n3A_171 {strides = array<i32>} : memref<128x16xi32, #tpu.memory_space<vmem>>, vector<128x16xi32>,
      } else {
      }
      %gt3A_80 = arith.constant 2 : i32
      %gt3A_81 = arith.cmpi sgt, %reduce_max3A_70, %gt3A_80 : i32
      %convert_element_type3A_82 = arith.extui %gt3A_81 : i1 to i32
      %cond3A_83 = arith.constant 0 : i32
      %cond3A_84 = arith.cmpi ne, %convert_element_type3A_82, %cond3A_83 : i32
      scf.if %cond3A_84 {
        %get3A_120 = arith.constant 0 : index
        %get3A_121 = arith.constant 0 : index
        %get3A_122 = vector.load %arg5[%get3A_120, %get3A_121] : memref<128x8192xf32, #tpu.memory_space<vmem>>, vector<128x8192xf32>
        %reduce_min3A_123 = arith.constant dense<0x7F800000> : vector<128xf32>
        %reduce_min3A_124 = vector.multi_reduction <minimumf>, %get3A_122, %reduce_min3A_123 [1] : vector<128x8192xf32> to vector<128xf32>
        %broadcast_in_dim3A_125 = vector.shape_cast %reduce_min3A_124 : vector<128xf32> to vector<128x1xf32>
        %eq3A_126 = vector.broadcast %broadcast_in_dim3A_125 : vector<128x1xf32> to vector<128x8192xf32>
        %eq3A_127 = arith.cmpf oeq, %get3A_122, %eq3A_126 : vector<128x8192xf32>
        %jit3A_128 = arith.constant 1073741824 : i32
        %broadcast_in_dim3A_129 = vector.broadcast %jit3A_128 : i32 to vector<128x8192xi32>
        %select_n3A_130 = arith.select %eq3A_127, %add3A_24, %broadcast_in_dim3A_129 : vector<128x8192xi1>, vector<128x8192xi32>
        %reduce_min3A_131 = arith.constant dense<2147483647> : vector<128xi32>
        %reduce_min3A_132 = vector.multi_reduction <minsi>, %select_n3A_130, %reduce_min3A_131 [1] : vector<128x8192xi32> to vector<128xi32>
        %broadcast_in_dim3A_133 = vector.shape_cast %reduce_min3A_132 : vector<128xi32> to vector<128x1xi32>
        %eq3A_134 = vector.broadcast %broadcast_in_dim3A_133 : vector<128x1xi32> to vector<128x8192xi32>
        %eq3A_135 = arith.cmpi eq, %add3A_24, %eq3A_134 : vector<128x8192xi32>
        %jit3A_136 = arith.constant 0x7F800000 : f32
        %broadcast_in_dim3A_137 = vector.broadcast %jit3A_136 : f32 to vector<128x8192xf32>
        %select_n3A_138 = arith.select %eq3A_135, %broadcast_in_dim3A_137, %get3A_122 : vector<128x8192xi1>, vector<128x8192xf32>
        %swap3A_139 = arith.constant 0 : index
        %swap3A_140 = arith.constant 0 : index
        %swap3A_141 = vector.load %arg5[%swap3A_139, %swap3A_140] : memref<128x8192xf32, #tpu.memory_space<vmem>>, vector<128x8192xf32>
        tpu.vector_store %arg5[%swap3A_139, %swap3A_140], %select_n3A_138 {strides = array<i32>} : memref<128x8192xf32, #tpu.memory_space<vmem>>, vector<128x8192xf32>,
        %get3A_142 = arith.constant 0 : index
        %get3A_143 = arith.constant 0 : index
        %get3A_144 = vector.load %arg6[%get3A_142, %get3A_143] : memref<128x16xf32, #tpu.memory_space<vmem>>, vector<128x16xf32>
        %get3A_145 = arith.constant 0 : index
        %get3A_146 = arith.constant 0 : index
        %get3A_147 = vector.load %arg7[%get3A_145, %get3A_146] : memref<128x16xi32, #tpu.memory_space<vmem>>, vector<128x16xi32>
        %reduce_max3A_148 = arith.constant dense<0xFF800000> : vector<128xf32>
        %reduce_max3A_149 = vector.multi_reduction <maximumf>, %get3A_144, %reduce_max3A_148 [1] : vector<128x16xf32> to vector<128xf32>
        %broadcast_in_dim3A_150 = vector.shape_cast %reduce_max3A_149 : vector<128xf32> to vector<128x1xf32>
        %eq3A_151 = vector.broadcast %broadcast_in_dim3A_150 : vector<128x1xf32> to vector<128x16xf32>
        %eq3A_152 = arith.cmpf oeq, %get3A_144, %eq3A_151 : vector<128x16xf32>
        %jit3A_153 = arith.constant 1073741824 : i32
        %broadcast_in_dim3A_154 = vector.broadcast %jit3A_153 : i32 to vector<128x16xi32>
        %select_n3A_155 = arith.select %eq3A_152, %iota3A, %broadcast_in_dim3A_154 : vector<128x16xi1>, vector<128x16xi32>
        %reduce_min3A_156 = arith.constant dense<2147483647> : vector<128xi32>
        %reduce_min3A_157 = vector.multi_reduction <minsi>, %select_n3A_155, %reduce_min3A_156 [1] : vector<128x16xi32> to vector<128xi32>
        %broadcast_in_dim3A_158 = vector.shape_cast %reduce_min3A_157 : vector<128xi32> to vector<128x1xi32>
        %eq3A_159 = vector.broadcast %broadcast_in_dim3A_158 : vector<128x1xi32> to vector<128x16xi32>
        %eq3A_160 = arith.cmpi eq, %iota3A, %eq3A_159 : vector<128x16xi32>
        %lt3A_161 = arith.cmpf olt, %broadcast_in_dim3A_125, %broadcast_in_dim3A_150 : vector<128x1xf32>
        %and3A = vector.broadcast %lt3A_161 : vector<128x1xi1> to vector<128x16xi1>
        %and3A_162 = arith.andi %eq3A_160, %and3A : vector<128x16xi1>
        %broadcast_in_dim3A_163 = vector.shape_cast %broadcast_in_dim3A_125 : vector<128x1xf32> to vector<128x1xf32>
        %broadcast_in_dim3A_164 = vector.broadcast %broadcast_in_dim3A_163 : vector<128x1xf32> to vector<128x16xf32>
        %select_n3A_165 = arith.select %and3A_162, %broadcast_in_dim3A_164, %get3A_144 : vector<128x16xi1>, vector<128x16xf32>
        %swap3A_166 = arith.constant 0 : index
        %swap3A_167 = arith.constant 0 : index
        %swap3A_168 = vector.load %arg6[%swap3A_166, %swap3A_167] : memref<128x16xf32, #tpu.memory_space<vmem>>, vector<128x16xf32>
        tpu.vector_store %arg6[%swap3A_166, %swap3A_167], %select_n3A_165 {strides = array<i32>} : memref<128x16xf32, #tpu.memory_space<vmem>>, vector<128x16xf32>,
        %broadcast_in_dim3A_169 = vector.shape_cast %broadcast_in_dim3A_133 : vector<128x1xi32> to vector<128x1xi32>
        %broadcast_in_dim3A_170 = vector.broadcast %broadcast_in_dim3A_169 : vector<128x1xi32> to vector<128x16xi32>
        %select_n3A_171 = arith.select %and3A_162, %broadcast_in_dim3A_170, %get3A_147 : vector<128x16xi1>, vector<128x16xi32>
        %swap3A_172 = arith.constant 0 : index
        %swap3A_173 = arith.constant 0 : index
        %swap3A_174 = vector.load %arg7[%swap3A_172, %swap3A_173] : memref<128x16xi32, #tpu.memory_space<vmem>>, vector<128x16xi32>
        tpu.vector_store %arg7[%swap3A_172, %swap3A_173], %select_n3A_171 {strides = array<i32>} : memref<128x16xi32, #tpu.memory_space<vmem>>, vector<128x16xi32>,
      } else {
      }
      %gt3A_85 = arith.constant 3 : i32
      %gt3A_86 = arith.cmpi sgt, %reduce_max3A_70, %gt3A_85 : i32
      %convert_element_type3A_87 = arith.extui %gt3A_86 : i1 to i32
      %cond3A_88 = arith.constant 0 : i32
      %cond3A_89 = arith.cmpi ne, %convert_element_type3A_87, %cond3A_88 : i32
      scf.if %cond3A_89 {
        %get3A_120 = arith.constant 0 : index
        %get3A_121 = arith.constant 0 : index
        %get3A_122 = vector.load %arg5[%get3A_120, %get3A_121] : memref<128x8192xf32, #tpu.memory_space<vmem>>, vector<128x8192xf32>
        %reduce_min3A_123 = arith.constant dense<0x7F800000> : vector<128xf32>
        %reduce_min3A_124 = vector.multi_reduction <minimumf>, %get3A_122, %reduce_min3A_123 [1] : vector<128x8192xf32> to vector<128xf32>
        %broadcast_in_dim3A_125 = vector.shape_cast %reduce_min3A_124 : vector<128xf32> to vector<128x1xf32>
        %eq3A_126 = vector.broadcast %broadcast_in_dim3A_125 : vector<128x1xf32> to vector<128x8192xf32>
        %eq3A_127 = arith.cmpf oeq, %get3A_122, %eq3A_126 : vector<128x8192xf32>
        %jit3A_128 = arith.constant 1073741824 : i32
        %broadcast_in_dim3A_129 = vector.broadcast %jit3A_128 : i32 to vector<128x8192xi32>
        %select_n3A_130 = arith.select %eq3A_127, %add3A_24, %broadcast_in_dim3A_129 : vector<128x8192xi1>, vector<128x8192xi32>
        %reduce_min3A_131 = arith.constant dense<2147483647> : vector<128xi32>
        %reduce_min3A_132 = vector.multi_reduction <minsi>, %select_n3A_130, %reduce_min3A_131 [1] : vector<128x8192xi32> to vector<128xi32>
        %broadcast_in_dim3A_133 = vector.shape_cast %reduce_min3A_132 : vector<128xi32> to vector<128x1xi32>
        %eq3A_134 = vector.broadcast %broadcast_in_dim3A_133 : vector<128x1xi32> to vector<128x8192xi32>
        %eq3A_135 = arith.cmpi eq, %add3A_24, %eq3A_134 : vector<128x8192xi32>
        %jit3A_136 = arith.constant 0x7F800000 : f32
        %broadcast_in_dim3A_137 = vector.broadcast %jit3A_136 : f32 to vector<128x8192xf32>
        %select_n3A_138 = arith.select %eq3A_135, %broadcast_in_dim3A_137, %get3A_122 : vector<128x8192xi1>, vector<128x8192xf32>
        %swap3A_139 = arith.constant 0 : index
        %swap3A_140 = arith.constant 0 : index
        %swap3A_141 = vector.load %arg5[%swap3A_139, %swap3A_140] : memref<128x8192xf32, #tpu.memory_space<vmem>>, vector<128x8192xf32>
        tpu.vector_store %arg5[%swap3A_139, %swap3A_140], %select_n3A_138 {strides = array<i32>} : memref<128x8192xf32, #tpu.memory_space<vmem>>, vector<128x8192xf32>,
        %get3A_142 = arith.constant 0 : index
        %get3A_143 = arith.constant 0 : index
        %get3A_144 = vector.load %arg6[%get3A_142, %get3A_143] : memref<128x16xf32, #tpu.memory_space<vmem>>, vector<128x16xf32>
        %get3A_145 = arith.constant 0 : index
        %get3A_146 = arith.constant 0 : index
        %get3A_147 = vector.load %arg7[%get3A_145, %get3A_146] : memref<128x16xi32, #tpu.memory_space<vmem>>, vector<128x16xi32>
        %reduce_max3A_148 = arith.constant dense<0xFF800000> : vector<128xf32>
        %reduce_max3A_149 = vector.multi_reduction <maximumf>, %get3A_144, %reduce_max3A_148 [1] : vector<128x16xf32> to vector<128xf32>
        %broadcast_in_dim3A_150 = vector.shape_cast %reduce_max3A_149 : vector<128xf32> to vector<128x1xf32>
        %eq3A_151 = vector.broadcast %broadcast_in_dim3A_150 : vector<128x1xf32> to vector<128x16xf32>
        %eq3A_152 = arith.cmpf oeq, %get3A_144, %eq3A_151 : vector<128x16xf32>
        %jit3A_153 = arith.constant 1073741824 : i32
        %broadcast_in_dim3A_154 = vector.broadcast %jit3A_153 : i32 to vector<128x16xi32>
        %select_n3A_155 = arith.select %eq3A_152, %iota3A, %broadcast_in_dim3A_154 : vector<128x16xi1>, vector<128x16xi32>
        %reduce_min3A_156 = arith.constant dense<2147483647> : vector<128xi32>
        %reduce_min3A_157 = vector.multi_reduction <minsi>, %select_n3A_155, %reduce_min3A_156 [1] : vector<128x16xi32> to vector<128xi32>
        %broadcast_in_dim3A_158 = vector.shape_cast %reduce_min3A_157 : vector<128xi32> to vector<128x1xi32>
        %eq3A_159 = vector.broadcast %broadcast_in_dim3A_158 : vector<128x1xi32> to vector<128x16xi32>
        %eq3A_160 = arith.cmpi eq, %iota3A, %eq3A_159 : vector<128x16xi32>
        %lt3A_161 = arith.cmpf olt, %broadcast_in_dim3A_125, %broadcast_in_dim3A_150 : vector<128x1xf32>
        %and3A = vector.broadcast %lt3A_161 : vector<128x1xi1> to vector<128x16xi1>
        %and3A_162 = arith.andi %eq3A_160, %and3A : vector<128x16xi1>
        %broadcast_in_dim3A_163 = vector.shape_cast %broadcast_in_dim3A_125 : vector<128x1xf32> to vector<128x1xf32>
        %broadcast_in_dim3A_164 = vector.broadcast %broadcast_in_dim3A_163 : vector<128x1xf32> to vector<128x16xf32>
        %select_n3A_165 = arith.select %and3A_162, %broadcast_in_dim3A_164, %get3A_144 : vector<128x16xi1>, vector<128x16xf32>
        %swap3A_166 = arith.constant 0 : index
        %swap3A_167 = arith.constant 0 : index
        %swap3A_168 = vector.load %arg6[%swap3A_166, %swap3A_167] : memref<128x16xf32, #tpu.memory_space<vmem>>, vector<128x16xf32>
        tpu.vector_store %arg6[%swap3A_166, %swap3A_167], %select_n3A_165 {strides = array<i32>} : memref<128x16xf32, #tpu.memory_space<vmem>>, vector<128x16xf32>,
        %broadcast_in_dim3A_169 = vector.shape_cast %broadcast_in_dim3A_133 : vector<128x1xi32> to vector<128x1xi32>
        %broadcast_in_dim3A_170 = vector.broadcast %broadcast_in_dim3A_169 : vector<128x1xi32> to vector<128x16xi32>
        %select_n3A_171 = arith.select %and3A_162, %broadcast_in_dim3A_170, %get3A_147 : vector<128x16xi1>, vector<128x16xi32>
        %swap3A_172 = arith.constant 0 : index
        %swap3A_173 = arith.constant 0 : index
        %swap3A_174 = vector.load %arg7[%swap3A_172, %swap3A_173] : memref<128x16xi32, #tpu.memory_space<vmem>>, vector<128x16xi32>
        tpu.vector_store %arg7[%swap3A_172, %swap3A_173], %select_n3A_171 {strides = array<i32>} : memref<128x16xi32, #tpu.memory_space<vmem>>, vector<128x16xi32>,
      } else {
      }
      %gt3A_90 = arith.constant 4 : i32
      %gt3A_91 = arith.cmpi sgt, %reduce_max3A_70, %gt3A_90 : i32
      %convert_element_type3A_92 = arith.extui %gt3A_91 : i1 to i32
      %cond3A_93 = arith.constant 0 : i32
      %cond3A_94 = arith.cmpi ne, %convert_element_type3A_92, %cond3A_93 : i32
      scf.if %cond3A_94 {
        %get3A_120 = arith.constant 0 : index
        %get3A_121 = arith.constant 0 : index
        %get3A_122 = vector.load %arg5[%get3A_120, %get3A_121] : memref<128x8192xf32, #tpu.memory_space<vmem>>, vector<128x8192xf32>
        %reduce_min3A_123 = arith.constant dense<0x7F800000> : vector<128xf32>
        %reduce_min3A_124 = vector.multi_reduction <minimumf>, %get3A_122, %reduce_min3A_123 [1] : vector<128x8192xf32> to vector<128xf32>
        %broadcast_in_dim3A_125 = vector.shape_cast %reduce_min3A_124 : vector<128xf32> to vector<128x1xf32>
        %eq3A_126 = vector.broadcast %broadcast_in_dim3A_125 : vector<128x1xf32> to vector<128x8192xf32>
        %eq3A_127 = arith.cmpf oeq, %get3A_122, %eq3A_126 : vector<128x8192xf32>
        %jit3A_128 = arith.constant 1073741824 : i32
        %broadcast_in_dim3A_129 = vector.broadcast %jit3A_128 : i32 to vector<128x8192xi32>
        %select_n3A_130 = arith.select %eq3A_127, %add3A_24, %broadcast_in_dim3A_129 : vector<128x8192xi1>, vector<128x8192xi32>
        %reduce_min3A_131 = arith.constant dense<2147483647> : vector<128xi32>
        %reduce_min3A_132 = vector.multi_reduction <minsi>, %select_n3A_130, %reduce_min3A_131 [1] : vector<128x8192xi32> to vector<128xi32>
        %broadcast_in_dim3A_133 = vector.shape_cast %reduce_min3A_132 : vector<128xi32> to vector<128x1xi32>
        %eq3A_134 = vector.broadcast %broadcast_in_dim3A_133 : vector<128x1xi32> to vector<128x8192xi32>
        %eq3A_135 = arith.cmpi eq, %add3A_24, %eq3A_134 : vector<128x8192xi32>
        %jit3A_136 = arith.constant 0x7F800000 : f32
        %broadcast_in_dim3A_137 = vector.broadcast %jit3A_136 : f32 to vector<128x8192xf32>
        %select_n3A_138 = arith.select %eq3A_135, %broadcast_in_dim3A_137, %get3A_122 : vector<128x8192xi1>, vector<128x8192xf32>
        %swap3A_139 = arith.constant 0 : index
        %swap3A_140 = arith.constant 0 : index
        %swap3A_141 = vector.load %arg5[%swap3A_139, %swap3A_140] : memref<128x8192xf32, #tpu.memory_space<vmem>>, vector<128x8192xf32>
        tpu.vector_store %arg5[%swap3A_139, %swap3A_140], %select_n3A_138 {strides = array<i32>} : memref<128x8192xf32, #tpu.memory_space<vmem>>, vector<128x8192xf32>,
        %get3A_142 = arith.constant 0 : index
        %get3A_143 = arith.constant 0 : index
        %get3A_144 = vector.load %arg6[%get3A_142, %get3A_143] : memref<128x16xf32, #tpu.memory_space<vmem>>, vector<128x16xf32>
        %get3A_145 = arith.constant 0 : index
        %get3A_146 = arith.constant 0 : index
        %get3A_147 = vector.load %arg7[%get3A_145, %get3A_146] : memref<128x16xi32, #tpu.memory_space<vmem>>, vector<128x16xi32>
        %reduce_max3A_148 = arith.constant dense<0xFF800000> : vector<128xf32>
        %reduce_max3A_149 = vector.multi_reduction <maximumf>, %get3A_144, %reduce_max3A_148 [1] : vector<128x16xf32> to vector<128xf32>
        %broadcast_in_dim3A_150 = vector.shape_cast %reduce_max3A_149 : vector<128xf32> to vector<128x1xf32>
        %eq3A_151 = vector.broadcast %broadcast_in_dim3A_150 : vector<128x1xf32> to vector<128x16xf32>
        %eq3A_152 = arith.cmpf oeq, %get3A_144, %eq3A_151 : vector<128x16xf32>
        %jit3A_153 = arith.constant 1073741824 : i32
        %broadcast_in_dim3A_154 = vector.broadcast %jit3A_153 : i32 to vector<128x16xi32>
        %select_n3A_155 = arith.select %eq3A_152, %iota3A, %broadcast_in_dim3A_154 : vector<128x16xi1>, vector<128x16xi32>
        %reduce_min3A_156 = arith.constant dense<2147483647> : vector<128xi32>
        %reduce_min3A_157 = vector.multi_reduction <minsi>, %select_n3A_155, %reduce_min3A_156 [1] : vector<128x16xi32> to vector<128xi32>
        %broadcast_in_dim3A_158 = vector.shape_cast %reduce_min3A_157 : vector<128xi32> to vector<128x1xi32>
        %eq3A_159 = vector.broadcast %broadcast_in_dim3A_158 : vector<128x1xi32> to vector<128x16xi32>
        %eq3A_160 = arith.cmpi eq, %iota3A, %eq3A_159 : vector<128x16xi32>
        %lt3A_161 = arith.cmpf olt, %broadcast_in_dim3A_125, %broadcast_in_dim3A_150 : vector<128x1xf32>
        %and3A = vector.broadcast %lt3A_161 : vector<128x1xi1> to vector<128x16xi1>
        %and3A_162 = arith.andi %eq3A_160, %and3A : vector<128x16xi1>
        %broadcast_in_dim3A_163 = vector.shape_cast %broadcast_in_dim3A_125 : vector<128x1xf32> to vector<128x1xf32>
        %broadcast_in_dim3A_164 = vector.broadcast %broadcast_in_dim3A_163 : vector<128x1xf32> to vector<128x16xf32>
        %select_n3A_165 = arith.select %and3A_162, %broadcast_in_dim3A_164, %get3A_144 : vector<128x16xi1>, vector<128x16xf32>
        %swap3A_166 = arith.constant 0 : index
        %swap3A_167 = arith.constant 0 : index
        %swap3A_168 = vector.load %arg6[%swap3A_166, %swap3A_167] : memref<128x16xf32, #tpu.memory_space<vmem>>, vector<128x16xf32>
        tpu.vector_store %arg6[%swap3A_166, %swap3A_167], %select_n3A_165 {strides = array<i32>} : memref<128x16xf32, #tpu.memory_space<vmem>>, vector<128x16xf32>,
        %broadcast_in_dim3A_169 = vector.shape_cast %broadcast_in_dim3A_133 : vector<128x1xi32> to vector<128x1xi32>
        %broadcast_in_dim3A_170 = vector.broadcast %broadcast_in_dim3A_169 : vector<128x1xi32> to vector<128x16xi32>
        %select_n3A_171 = arith.select %and3A_162, %broadcast_in_dim3A_170, %get3A_147 : vector<128x16xi1>, vector<128x16xi32>
        %swap3A_172 = arith.constant 0 : index
        %swap3A_173 = arith.constant 0 : index
        %swap3A_174 = vector.load %arg7[%swap3A_172, %swap3A_173] : memref<128x16xi32, #tpu.memory_space<vmem>>, vector<128x16xi32>
        tpu.vector_store %arg7[%swap3A_172, %swap3A_173], %select_n3A_171 {strides = array<i32>} : memref<128x16xi32, #tpu.memory_space<vmem>>, vector<128x16xi32>,
      } else {
      }
      %gt3A_95 = arith.constant 5 : i32
      %gt3A_96 = arith.cmpi sgt, %reduce_max3A_70, %gt3A_95 : i32
      %convert_element_type3A_97 = arith.extui %gt3A_96 : i1 to i32
      %cond3A_98 = arith.constant 0 : i32
      %cond3A_99 = arith.cmpi ne, %convert_element_type3A_97, %cond3A_98 : i32
      scf.if %cond3A_99 {
        %get3A_120 = arith.constant 0 : index
        %get3A_121 = arith.constant 0 : index
        %get3A_122 = vector.load %arg5[%get3A_120, %get3A_121] : memref<128x8192xf32, #tpu.memory_space<vmem>>, vector<128x8192xf32>
        %reduce_min3A_123 = arith.constant dense<0x7F800000> : vector<128xf32>
        %reduce_min3A_124 = vector.multi_reduction <minimumf>, %get3A_122, %reduce_min3A_123 [1] : vector<128x8192xf32> to vector<128xf32>
        %broadcast_in_dim3A_125 = vector.shape_cast %reduce_min3A_124 : vector<128xf32> to vector<128x1xf32>
        %eq3A_126 = vector.broadcast %broadcast_in_dim3A_125 : vector<128x1xf32> to vector<128x8192xf32>
        %eq3A_127 = arith.cmpf oeq, %get3A_122, %eq3A_126 : vector<128x8192xf32>
        %jit3A_128 = arith.constant 1073741824 : i32
        %broadcast_in_dim3A_129 = vector.broadcast %jit3A_128 : i32 to vector<128x8192xi32>
        %select_n3A_130 = arith.select %eq3A_127, %add3A_24, %broadcast_in_dim3A_129 : vector<128x8192xi1>, vector<128x8192xi32>
        %reduce_min3A_131 = arith.constant dense<2147483647> : vector<128xi32>
        %reduce_min3A_132 = vector.multi_reduction <minsi>, %select_n3A_130, %reduce_min3A_131 [1] : vector<128x8192xi32> to vector<128xi32>
        %broadcast_in_dim3A_133 = vector.shape_cast %reduce_min3A_132 : vector<128xi32> to vector<128x1xi32>
        %eq3A_134 = vector.broadcast %broadcast_in_dim3A_133 : vector<128x1xi32> to vector<128x8192xi32>
        %eq3A_135 = arith.cmpi eq, %add3A_24, %eq3A_134 : vector<128x8192xi32>
        %jit3A_136 = arith.constant 0x7F800000 : f32
        %broadcast_in_dim3A_137 = vector.broadcast %jit3A_136 : f32 to vector<128x8192xf32>
        %select_n3A_138 = arith.select %eq3A_135, %broadcast_in_dim3A_137, %get3A_122 : vector<128x8192xi1>, vector<128x8192xf32>
        %swap3A_139 = arith.constant 0 : index
        %swap3A_140 = arith.constant 0 : index
        %swap3A_141 = vector.load %arg5[%swap3A_139, %swap3A_140] : memref<128x8192xf32, #tpu.memory_space<vmem>>, vector<128x8192xf32>
        tpu.vector_store %arg5[%swap3A_139, %swap3A_140], %select_n3A_138 {strides = array<i32>} : memref<128x8192xf32, #tpu.memory_space<vmem>>, vector<128x8192xf32>,
        %get3A_142 = arith.constant 0 : index
        %get3A_143 = arith.constant 0 : index
        %get3A_144 = vector.load %arg6[%get3A_142, %get3A_143] : memref<128x16xf32, #tpu.memory_space<vmem>>, vector<128x16xf32>
        %get3A_145 = arith.constant 0 : index
        %get3A_146 = arith.constant 0 : index
        %get3A_147 = vector.load %arg7[%get3A_145, %get3A_146] : memref<128x16xi32, #tpu.memory_space<vmem>>, vector<128x16xi32>
        %reduce_max3A_148 = arith.constant dense<0xFF800000> : vector<128xf32>
        %reduce_max3A_149 = vector.multi_reduction <maximumf>, %get3A_144, %reduce_max3A_148 [1] : vector<128x16xf32> to vector<128xf32>
        %broadcast_in_dim3A_150 = vector.shape_cast %reduce_max3A_149 : vector<128xf32> to vector<128x1xf32>
        %eq3A_151 = vector.broadcast %broadcast_in_dim3A_150 : vector<128x1xf32> to vector<128x16xf32>
        %eq3A_152 = arith.cmpf oeq, %get3A_144, %eq3A_151 : vector<128x16xf32>
        %jit3A_153 = arith.constant 1073741824 : i32
        %broadcast_in_dim3A_154 = vector.broadcast %jit3A_153 : i32 to vector<128x16xi32>
        %select_n3A_155 = arith.select %eq3A_152, %iota3A, %broadcast_in_dim3A_154 : vector<128x16xi1>, vector<128x16xi32>
        %reduce_min3A_156 = arith.constant dense<2147483647> : vector<128xi32>
        %reduce_min3A_157 = vector.multi_reduction <minsi>, %select_n3A_155, %reduce_min3A_156 [1] : vector<128x16xi32> to vector<128xi32>
        %broadcast_in_dim3A_158 = vector.shape_cast %reduce_min3A_157 : vector<128xi32> to vector<128x1xi32>
        %eq3A_159 = vector.broadcast %broadcast_in_dim3A_158 : vector<128x1xi32> to vector<128x16xi32>
        %eq3A_160 = arith.cmpi eq, %iota3A, %eq3A_159 : vector<128x16xi32>
        %lt3A_161 = arith.cmpf olt, %broadcast_in_dim3A_125, %broadcast_in_dim3A_150 : vector<128x1xf32>
        %and3A = vector.broadcast %lt3A_161 : vector<128x1xi1> to vector<128x16xi1>
        %and3A_162 = arith.andi %eq3A_160, %and3A : vector<128x16xi1>
        %broadcast_in_dim3A_163 = vector.shape_cast %broadcast_in_dim3A_125 : vector<128x1xf32> to vector<128x1xf32>
        %broadcast_in_dim3A_164 = vector.broadcast %broadcast_in_dim3A_163 : vector<128x1xf32> to vector<128x16xf32>
        %select_n3A_165 = arith.select %and3A_162, %broadcast_in_dim3A_164, %get3A_144 : vector<128x16xi1>, vector<128x16xf32>
        %swap3A_166 = arith.constant 0 : index
        %swap3A_167 = arith.constant 0 : index
        %swap3A_168 = vector.load %arg6[%swap3A_166, %swap3A_167] : memref<128x16xf32, #tpu.memory_space<vmem>>, vector<128x16xf32>
        tpu.vector_store %arg6[%swap3A_166, %swap3A_167], %select_n3A_165 {strides = array<i32>} : memref<128x16xf32, #tpu.memory_space<vmem>>, vector<128x16xf32>,
        %broadcast_in_dim3A_169 = vector.shape_cast %broadcast_in_dim3A_133 : vector<128x1xi32> to vector<128x1xi32>
        %broadcast_in_dim3A_170 = vector.broadcast %broadcast_in_dim3A_169 : vector<128x1xi32> to vector<128x16xi32>
        %select_n3A_171 = arith.select %and3A_162, %broadcast_in_dim3A_170, %get3A_147 : vector<128x16xi1>, vector<128x16xi32>
        %swap3A_172 = arith.constant 0 : index
        %swap3A_173 = arith.constant 0 : index
        %swap3A_174 = vector.load %arg7[%swap3A_172, %swap3A_173] : memref<128x16xi32, #tpu.memory_space<vmem>>, vector<128x16xi32>
        tpu.vector_store %arg7[%swap3A_172, %swap3A_173], %select_n3A_171 {strides = array<i32>} : memref<128x16xi32, #tpu.memory_space<vmem>>, vector<128x16xi32>,
      } else {
      }
      %gt3A_100 = arith.constant 6 : i32
      %gt3A_101 = arith.cmpi sgt, %reduce_max3A_70, %gt3A_100 : i32
      %convert_element_type3A_102 = arith.extui %gt3A_101 : i1 to i32
      %cond3A_103 = arith.constant 0 : i32
      %cond3A_104 = arith.cmpi ne, %convert_element_type3A_102, %cond3A_103 : i32
      scf.if %cond3A_104 {
        %get3A_120 = arith.constant 0 : index
        %get3A_121 = arith.constant 0 : index
        %get3A_122 = vector.load %arg5[%get3A_120, %get3A_121] : memref<128x8192xf32, #tpu.memory_space<vmem>>, vector<128x8192xf32>
        %reduce_min3A_123 = arith.constant dense<0x7F800000> : vector<128xf32>
        %reduce_min3A_124 = vector.multi_reduction <minimumf>, %get3A_122, %reduce_min3A_123 [1] : vector<128x8192xf32> to vector<128xf32>
        %broadcast_in_dim3A_125 = vector.shape_cast %reduce_min3A_124 : vector<128xf32> to vector<128x1xf32>
        %eq3A_126 = vector.broadcast %broadcast_in_dim3A_125 : vector<128x1xf32> to vector<128x8192xf32>
        %eq3A_127 = arith.cmpf oeq, %get3A_122, %eq3A_126 : vector<128x8192xf32>
        %jit3A_128 = arith.constant 1073741824 : i32
        %broadcast_in_dim3A_129 = vector.broadcast %jit3A_128 : i32 to vector<128x8192xi32>
        %select_n3A_130 = arith.select %eq3A_127, %add3A_24, %broadcast_in_dim3A_129 : vector<128x8192xi1>, vector<128x8192xi32>
        %reduce_min3A_131 = arith.constant dense<2147483647> : vector<128xi32>
        %reduce_min3A_132 = vector.multi_reduction <minsi>, %select_n3A_130, %reduce_min3A_131 [1] : vector<128x8192xi32> to vector<128xi32>
        %broadcast_in_dim3A_133 = vector.shape_cast %reduce_min3A_132 : vector<128xi32> to vector<128x1xi32>
        %eq3A_134 = vector.broadcast %broadcast_in_dim3A_133 : vector<128x1xi32> to vector<128x8192xi32>
        %eq3A_135 = arith.cmpi eq, %add3A_24, %eq3A_134 : vector<128x8192xi32>
        %jit3A_136 = arith.constant 0x7F800000 : f32
        %broadcast_in_dim3A_137 = vector.broadcast %jit3A_136 : f32 to vector<128x8192xf32>
        %select_n3A_138 = arith.select %eq3A_135, %broadcast_in_dim3A_137, %get3A_122 : vector<128x8192xi1>, vector<128x8192xf32>
        %swap3A_139 = arith.constant 0 : index
        %swap3A_140 = arith.constant 0 : index
        %swap3A_141 = vector.load %arg5[%swap3A_139, %swap3A_140] : memref<128x8192xf32, #tpu.memory_space<vmem>>, vector<128x8192xf32>
        tpu.vector_store %arg5[%swap3A_139, %swap3A_140], %select_n3A_138 {strides = array<i32>} : memref<128x8192xf32, #tpu.memory_space<vmem>>, vector<128x8192xf32>,
        %get3A_142 = arith.constant 0 : index
        %get3A_143 = arith.constant 0 : index
        %get3A_144 = vector.load %arg6[%get3A_142, %get3A_143] : memref<128x16xf32, #tpu.memory_space<vmem>>, vector<128x16xf32>
        %get3A_145 = arith.constant 0 : index
        %get3A_146 = arith.constant 0 : index
        %get3A_147 = vector.load %arg7[%get3A_145, %get3A_146] : memref<128x16xi32, #tpu.memory_space<vmem>>, vector<128x16xi32>
        %reduce_max3A_148 = arith.constant dense<0xFF800000> : vector<128xf32>
        %reduce_max3A_149 = vector.multi_reduction <maximumf>, %get3A_144, %reduce_max3A_148 [1] : vector<128x16xf32> to vector<128xf32>
        %broadcast_in_dim3A_150 = vector.shape_cast %reduce_max3A_149 : vector<128xf32> to vector<128x1xf32>
        %eq3A_151 = vector.broadcast %broadcast_in_dim3A_150 : vector<128x1xf32> to vector<128x16xf32>
        %eq3A_152 = arith.cmpf oeq, %get3A_144, %eq3A_151 : vector<128x16xf32>
        %jit3A_153 = arith.constant 1073741824 : i32
        %broadcast_in_dim3A_154 = vector.broadcast %jit3A_153 : i32 to vector<128x16xi32>
        %select_n3A_155 = arith.select %eq3A_152, %iota3A, %broadcast_in_dim3A_154 : vector<128x16xi1>, vector<128x16xi32>
        %reduce_min3A_156 = arith.constant dense<2147483647> : vector<128xi32>
        %reduce_min3A_157 = vector.multi_reduction <minsi>, %select_n3A_155, %reduce_min3A_156 [1] : vector<128x16xi32> to vector<128xi32>
        %broadcast_in_dim3A_158 = vector.shape_cast %reduce_min3A_157 : vector<128xi32> to vector<128x1xi32>
        %eq3A_159 = vector.broadcast %broadcast_in_dim3A_158 : vector<128x1xi32> to vector<128x16xi32>
        %eq3A_160 = arith.cmpi eq, %iota3A, %eq3A_159 : vector<128x16xi32>
        %lt3A_161 = arith.cmpf olt, %broadcast_in_dim3A_125, %broadcast_in_dim3A_150 : vector<128x1xf32>
        %and3A = vector.broadcast %lt3A_161 : vector<128x1xi1> to vector<128x16xi1>
        %and3A_162 = arith.andi %eq3A_160, %and3A : vector<128x16xi1>
        %broadcast_in_dim3A_163 = vector.shape_cast %broadcast_in_dim3A_125 : vector<128x1xf32> to vector<128x1xf32>
        %broadcast_in_dim3A_164 = vector.broadcast %broadcast_in_dim3A_163 : vector<128x1xf32> to vector<128x16xf32>
        %select_n3A_165 = arith.select %and3A_162, %broadcast_in_dim3A_164, %get3A_144 : vector<128x16xi1>, vector<128x16xf32>
        %swap3A_166 = arith.constant 0 : index
        %swap3A_167 = arith.constant 0 : index
        %swap3A_168 = vector.load %arg6[%swap3A_166, %swap3A_167] : memref<128x16xf32, #tpu.memory_space<vmem>>, vector<128x16xf32>
        tpu.vector_store %arg6[%swap3A_166, %swap3A_167], %select_n3A_165 {strides = array<i32>} : memref<128x16xf32, #tpu.memory_space<vmem>>, vector<128x16xf32>,
        %broadcast_in_dim3A_169 = vector.shape_cast %broadcast_in_dim3A_133 : vector<128x1xi32> to vector<128x1xi32>
        %broadcast_in_dim3A_170 = vector.broadcast %broadcast_in_dim3A_169 : vector<128x1xi32> to vector<128x16xi32>
        %select_n3A_171 = arith.select %and3A_162, %broadcast_in_dim3A_170, %get3A_147 : vector<128x16xi1>, vector<128x16xi32>
        %swap3A_172 = arith.constant 0 : index
        %swap3A_173 = arith.constant 0 : index
        %swap3A_174 = vector.load %arg7[%swap3A_172, %swap3A_173] : memref<128x16xi32, #tpu.memory_space<vmem>>, vector<128x16xi32>
        tpu.vector_store %arg7[%swap3A_172, %swap3A_173], %select_n3A_171 {strides = array<i32>} : memref<128x16xi32, #tpu.memory_space<vmem>>, vector<128x16xi32>,
      } else {
      }
      %gt3A_105 = arith.constant 7 : i32
      %gt3A_106 = arith.cmpi sgt, %reduce_max3A_70, %gt3A_105 : i32
      %convert_element_type3A_107 = arith.extui %gt3A_106 : i1 to i32
      %cond3A_108 = arith.constant 0 : i32
      %cond3A_109 = arith.cmpi ne, %convert_element_type3A_107, %cond3A_108 : i32
      scf.if %cond3A_109 {
        %get3A_120 = arith.constant 0 : index
        %get3A_121 = arith.constant 0 : index
        %get3A_122 = vector.load %arg5[%get3A_120, %get3A_121] : memref<128x8192xf32, #tpu.memory_space<vmem>>, vector<128x8192xf32>
        %reduce_min3A_123 = arith.constant dense<0x7F800000> : vector<128xf32>
        %reduce_min3A_124 = vector.multi_reduction <minimumf>, %get3A_122, %reduce_min3A_123 [1] : vector<128x8192xf32> to vector<128xf32>
        %broadcast_in_dim3A_125 = vector.shape_cast %reduce_min3A_124 : vector<128xf32> to vector<128x1xf32>
        %eq3A_126 = vector.broadcast %broadcast_in_dim3A_125 : vector<128x1xf32> to vector<128x8192xf32>
        %eq3A_127 = arith.cmpf oeq, %get3A_122, %eq3A_126 : vector<128x8192xf32>
        %jit3A_128 = arith.constant 1073741824 : i32
        %broadcast_in_dim3A_129 = vector.broadcast %jit3A_128 : i32 to vector<128x8192xi32>
        %select_n3A_130 = arith.select %eq3A_127, %add3A_24, %broadcast_in_dim3A_129 : vector<128x8192xi1>, vector<128x8192xi32>
        %reduce_min3A_131 = arith.constant dense<2147483647> : vector<128xi32>
        %reduce_min3A_132 = vector.multi_reduction <minsi>, %select_n3A_130, %reduce_min3A_131 [1] : vector<128x8192xi32> to vector<128xi32>
        %broadcast_in_dim3A_133 = vector.shape_cast %reduce_min3A_132 : vector<128xi32> to vector<128x1xi32>
        %eq3A_134 = vector.broadcast %broadcast_in_dim3A_133 : vector<128x1xi32> to vector<128x8192xi32>
        %eq3A_135 = arith.cmpi eq, %add3A_24, %eq3A_134 : vector<128x8192xi32>
        %jit3A_136 = arith.constant 0x7F800000 : f32
        %broadcast_in_dim3A_137 = vector.broadcast %jit3A_136 : f32 to vector<128x8192xf32>
        %select_n3A_138 = arith.select %eq3A_135, %broadcast_in_dim3A_137, %get3A_122 : vector<128x8192xi1>, vector<128x8192xf32>
        %swap3A_139 = arith.constant 0 : index
        %swap3A_140 = arith.constant 0 : index
        %swap3A_141 = vector.load %arg5[%swap3A_139, %swap3A_140] : memref<128x8192xf32, #tpu.memory_space<vmem>>, vector<128x8192xf32>
        tpu.vector_store %arg5[%swap3A_139, %swap3A_140], %select_n3A_138 {strides = array<i32>} : memref<128x8192xf32, #tpu.memory_space<vmem>>, vector<128x8192xf32>,
        %get3A_142 = arith.constant 0 : index
        %get3A_143 = arith.constant 0 : index
        %get3A_144 = vector.load %arg6[%get3A_142, %get3A_143] : memref<128x16xf32, #tpu.memory_space<vmem>>, vector<128x16xf32>
        %get3A_145 = arith.constant 0 : index
        %get3A_146 = arith.constant 0 : index
        %get3A_147 = vector.load %arg7[%get3A_145, %get3A_146] : memref<128x16xi32, #tpu.memory_space<vmem>>, vector<128x16xi32>
        %reduce_max3A_148 = arith.constant dense<0xFF800000> : vector<128xf32>
        %reduce_max3A_149 = vector.multi_reduction <maximumf>, %get3A_144, %reduce_max3A_148 [1] : vector<128x16xf32> to vector<128xf32>
        %broadcast_in_dim3A_150 = vector.shape_cast %reduce_max3A_149 : vector<128xf32> to vector<128x1xf32>
        %eq3A_151 = vector.broadcast %broadcast_in_dim3A_150 : vector<128x1xf32> to vector<128x16xf32>
        %eq3A_152 = arith.cmpf oeq, %get3A_144, %eq3A_151 : vector<128x16xf32>
        %jit3A_153 = arith.constant 1073741824 : i32
        %broadcast_in_dim3A_154 = vector.broadcast %jit3A_153 : i32 to vector<128x16xi32>
        %select_n3A_155 = arith.select %eq3A_152, %iota3A, %broadcast_in_dim3A_154 : vector<128x16xi1>, vector<128x16xi32>
        %reduce_min3A_156 = arith.constant dense<2147483647> : vector<128xi32>
        %reduce_min3A_157 = vector.multi_reduction <minsi>, %select_n3A_155, %reduce_min3A_156 [1] : vector<128x16xi32> to vector<128xi32>
        %broadcast_in_dim3A_158 = vector.shape_cast %reduce_min3A_157 : vector<128xi32> to vector<128x1xi32>
        %eq3A_159 = vector.broadcast %broadcast_in_dim3A_158 : vector<128x1xi32> to vector<128x16xi32>
        %eq3A_160 = arith.cmpi eq, %iota3A, %eq3A_159 : vector<128x16xi32>
        %lt3A_161 = arith.cmpf olt, %broadcast_in_dim3A_125, %broadcast_in_dim3A_150 : vector<128x1xf32>
        %and3A = vector.broadcast %lt3A_161 : vector<128x1xi1> to vector<128x16xi1>
        %and3A_162 = arith.andi %eq3A_160, %and3A : vector<128x16xi1>
        %broadcast_in_dim3A_163 = vector.shape_cast %broadcast_in_dim3A_125 : vector<128x1xf32> to vector<128x1xf32>
        %broadcast_in_dim3A_164 = vector.broadcast %broadcast_in_dim3A_163 : vector<128x1xf32> to vector<128x16xf32>
        %select_n3A_165 = arith.select %and3A_162, %broadcast_in_dim3A_164, %get3A_144 : vector<128x16xi1>, vector<128x16xf32>
        %swap3A_166 = arith.constant 0 : index
        %swap3A_167 = arith.constant 0 : index
        %swap3A_168 = vector.load %arg6[%swap3A_166, %swap3A_167] : memref<128x16xf32, #tpu.memory_space<vmem>>, vector<128x16xf32>
        tpu.vector_store %arg6[%swap3A_166, %swap3A_167], %select_n3A_165 {strides = array<i32>} : memref<128x16xf32, #tpu.memory_space<vmem>>, vector<128x16xf32>,
        %broadcast_in_dim3A_169 = vector.shape_cast %broadcast_in_dim3A_133 : vector<128x1xi32> to vector<128x1xi32>
        %broadcast_in_dim3A_170 = vector.broadcast %broadcast_in_dim3A_169 : vector<128x1xi32> to vector<128x16xi32>
        %select_n3A_171 = arith.select %and3A_162, %broadcast_in_dim3A_170, %get3A_147 : vector<128x16xi1>, vector<128x16xi32>
        %swap3A_172 = arith.constant 0 : index
        %swap3A_173 = arith.constant 0 : index
        %swap3A_174 = vector.load %arg7[%swap3A_172, %swap3A_173] : memref<128x16xi32, #tpu.memory_space<vmem>>, vector<128x16xi32>
        tpu.vector_store %arg7[%swap3A_172, %swap3A_173], %select_n3A_171 {strides = array<i32>} : memref<128x16xi32, #tpu.memory_space<vmem>>, vector<128x16xi32>,
      } else {
      }
      %gt3A_110 = arith.constant 8 : i32
      %gt3A_111 = arith.cmpi sgt, %reduce_max3A_70, %gt3A_110 : i32
      %convert_element_type3A_112 = arith.extui %gt3A_111 : i1 to i32
      %cond3A_113 = arith.constant 0 : i32
      %cond3A_114 = arith.cmpi ne, %convert_element_type3A_112, %cond3A_113 : i32
      scf.if %cond3A_114 {
        %get3A_120 = arith.constant 0 : index
        %get3A_121 = arith.constant 0 : index
        %get3A_122 = vector.load %arg5[%get3A_120, %get3A_121] : memref<128x8192xf32, #tpu.memory_space<vmem>>, vector<128x8192xf32>
        %reduce_min3A_123 = arith.constant dense<0x7F800000> : vector<128xf32>
        %reduce_min3A_124 = vector.multi_reduction <minimumf>, %get3A_122, %reduce_min3A_123 [1] : vector<128x8192xf32> to vector<128xf32>
        %broadcast_in_dim3A_125 = vector.shape_cast %reduce_min3A_124 : vector<128xf32> to vector<128x1xf32>
        %eq3A_126 = vector.broadcast %broadcast_in_dim3A_125 : vector<128x1xf32> to vector<128x8192xf32>
        %eq3A_127 = arith.cmpf oeq, %get3A_122, %eq3A_126 : vector<128x8192xf32>
        %jit3A_128 = arith.constant 1073741824 : i32
        %broadcast_in_dim3A_129 = vector.broadcast %jit3A_128 : i32 to vector<128x8192xi32>
        %select_n3A_130 = arith.select %eq3A_127, %add3A_24, %broadcast_in_dim3A_129 : vector<128x8192xi1>, vector<128x8192xi32>
        %reduce_min3A_131 = arith.constant dense<2147483647> : vector<128xi32>
        %reduce_min3A_132 = vector.multi_reduction <minsi>, %select_n3A_130, %reduce_min3A_131 [1] : vector<128x8192xi32> to vector<128xi32>
        %broadcast_in_dim3A_133 = vector.shape_cast %reduce_min3A_132 : vector<128xi32> to vector<128x1xi32>
        %eq3A_134 = vector.broadcast %broadcast_in_dim3A_133 : vector<128x1xi32> to vector<128x8192xi32>
        %eq3A_135 = arith.cmpi eq, %add3A_24, %eq3A_134 : vector<128x8192xi32>
        %jit3A_136 = arith.constant 0x7F800000 : f32
        %broadcast_in_dim3A_137 = vector.broadcast %jit3A_136 : f32 to vector<128x8192xf32>
        %select_n3A_138 = arith.select %eq3A_135, %broadcast_in_dim3A_137, %get3A_122 : vector<128x8192xi1>, vector<128x8192xf32>
        %swap3A_139 = arith.constant 0 : index
        %swap3A_140 = arith.constant 0 : index
        %swap3A_141 = vector.load %arg5[%swap3A_139, %swap3A_140] : memref<128x8192xf32, #tpu.memory_space<vmem>>, vector<128x8192xf32>
        tpu.vector_store %arg5[%swap3A_139, %swap3A_140], %select_n3A_138 {strides = array<i32>} : memref<128x8192xf32, #tpu.memory_space<vmem>>, vector<128x8192xf32>,
        %get3A_142 = arith.constant 0 : index
        %get3A_143 = arith.constant 0 : index
        %get3A_144 = vector.load %arg6[%get3A_142, %get3A_143] : memref<128x16xf32, #tpu.memory_space<vmem>>, vector<128x16xf32>
        %get3A_145 = arith.constant 0 : index
        %get3A_146 = arith.constant 0 : index
        %get3A_147 = vector.load %arg7[%get3A_145, %get3A_146] : memref<128x16xi32, #tpu.memory_space<vmem>>, vector<128x16xi32>
        %reduce_max3A_148 = arith.constant dense<0xFF800000> : vector<128xf32>
        %reduce_max3A_149 = vector.multi_reduction <maximumf>, %get3A_144, %reduce_max3A_148 [1] : vector<128x16xf32> to vector<128xf32>
        %broadcast_in_dim3A_150 = vector.shape_cast %reduce_max3A_149 : vector<128xf32> to vector<128x1xf32>
        %eq3A_151 = vector.broadcast %broadcast_in_dim3A_150 : vector<128x1xf32> to vector<128x16xf32>
        %eq3A_152 = arith.cmpf oeq, %get3A_144, %eq3A_151 : vector<128x16xf32>
        %jit3A_153 = arith.constant 1073741824 : i32
        %broadcast_in_dim3A_154 = vector.broadcast %jit3A_153 : i32 to vector<128x16xi32>
        %select_n3A_155 = arith.select %eq3A_152, %iota3A, %broadcast_in_dim3A_154 : vector<128x16xi1>, vector<128x16xi32>
        %reduce_min3A_156 = arith.constant dense<2147483647> : vector<128xi32>
        %reduce_min3A_157 = vector.multi_reduction <minsi>, %select_n3A_155, %reduce_min3A_156 [1] : vector<128x16xi32> to vector<128xi32>
        %broadcast_in_dim3A_158 = vector.shape_cast %reduce_min3A_157 : vector<128xi32> to vector<128x1xi32>
        %eq3A_159 = vector.broadcast %broadcast_in_dim3A_158 : vector<128x1xi32> to vector<128x16xi32>
        %eq3A_160 = arith.cmpi eq, %iota3A, %eq3A_159 : vector<128x16xi32>
        %lt3A_161 = arith.cmpf olt, %broadcast_in_dim3A_125, %broadcast_in_dim3A_150 : vector<128x1xf32>
        %and3A = vector.broadcast %lt3A_161 : vector<128x1xi1> to vector<128x16xi1>
        %and3A_162 = arith.andi %eq3A_160, %and3A : vector<128x16xi1>
        %broadcast_in_dim3A_163 = vector.shape_cast %broadcast_in_dim3A_125 : vector<128x1xf32> to vector<128x1xf32>
        %broadcast_in_dim3A_164 = vector.broadcast %broadcast_in_dim3A_163 : vector<128x1xf32> to vector<128x16xf32>
        %select_n3A_165 = arith.select %and3A_162, %broadcast_in_dim3A_164, %get3A_144 : vector<128x16xi1>, vector<128x16xf32>
        %swap3A_166 = arith.constant 0 : index
        %swap3A_167 = arith.constant 0 : index
        %swap3A_168 = vector.load %arg6[%swap3A_166, %swap3A_167] : memref<128x16xf32, #tpu.memory_space<vmem>>, vector<128x16xf32>
        tpu.vector_store %arg6[%swap3A_166, %swap3A_167], %select_n3A_165 {strides = array<i32>} : memref<128x16xf32, #tpu.memory_space<vmem>>, vector<128x16xf32>,
        %broadcast_in_dim3A_169 = vector.shape_cast %broadcast_in_dim3A_133 : vector<128x1xi32> to vector<128x1xi32>
        %broadcast_in_dim3A_170 = vector.broadcast %broadcast_in_dim3A_169 : vector<128x1xi32> to vector<128x16xi32>
        %select_n3A_171 = arith.select %and3A_162, %broadcast_in_dim3A_170, %get3A_147 : vector<128x16xi1>, vector<128x16xi32>
        %swap3A_172 = arith.constant 0 : index
        %swap3A_173 = arith.constant 0 : index
        %swap3A_174 = vector.load %arg7[%swap3A_172, %swap3A_173] : memref<128x16xi32, #tpu.memory_space<vmem>>, vector<128x16xi32>
        tpu.vector_store %arg7[%swap3A_172, %swap3A_173], %select_n3A_171 {strides = array<i32>} : memref<128x16xi32, #tpu.memory_space<vmem>>, vector<128x16xi32>,
      } else {
      }
      %gt3A_115 = arith.constant 9 : i32
      %gt3A_116 = arith.cmpi sgt, %reduce_max3A_70, %gt3A_115 : i32
      %convert_element_type3A_117 = arith.extui %gt3A_116 : i1 to i32
      %cond3A_118 = arith.constant 0 : i32
      %cond3A_119 = arith.cmpi ne, %convert_element_type3A_117, %cond3A_118 : i32
      scf.if %cond3A_119 {
        %get3A_120 = arith.constant 0 : index
        %get3A_121 = arith.constant 0 : index
        %get3A_122 = vector.load %arg5[%get3A_120, %get3A_121] : memref<128x8192xf32, #tpu.memory_space<vmem>>, vector<128x8192xf32>
        %reduce_min3A_123 = arith.constant dense<0x7F800000> : vector<128xf32>
        %reduce_min3A_124 = vector.multi_reduction <minimumf>, %get3A_122, %reduce_min3A_123 [1] : vector<128x8192xf32> to vector<128xf32>
        %broadcast_in_dim3A_125 = vector.shape_cast %reduce_min3A_124 : vector<128xf32> to vector<128x1xf32>
        %eq3A_126 = vector.broadcast %broadcast_in_dim3A_125 : vector<128x1xf32> to vector<128x8192xf32>
        %eq3A_127 = arith.cmpf oeq, %get3A_122, %eq3A_126 : vector<128x8192xf32>
        %jit3A_128 = arith.constant 1073741824 : i32
        %broadcast_in_dim3A_129 = vector.broadcast %jit3A_128 : i32 to vector<128x8192xi32>
        %select_n3A_130 = arith.select %eq3A_127, %add3A_24, %broadcast_in_dim3A_129 : vector<128x8192xi1>, vector<128x8192xi32>
        %reduce_min3A_131 = arith.constant dense<2147483647> : vector<128xi32>
        %reduce_min3A_132 = vector.multi_reduction <minsi>, %select_n3A_130, %reduce_min3A_131 [1] : vector<128x8192xi32> to vector<128xi32>
        %broadcast_in_dim3A_133 = vector.shape_cast %reduce_min3A_132 : vector<128xi32> to vector<128x1xi32>
        %eq3A_134 = vector.broadcast %broadcast_in_dim3A_133 : vector<128x1xi32> to vector<128x8192xi32>
        %eq3A_135 = arith.cmpi eq, %add3A_24, %eq3A_134 : vector<128x8192xi32>
        %jit3A_136 = arith.constant 0x7F800000 : f32
        %broadcast_in_dim3A_137 = vector.broadcast %jit3A_136 : f32 to vector<128x8192xf32>
        %select_n3A_138 = arith.select %eq3A_135, %broadcast_in_dim3A_137, %get3A_122 : vector<128x8192xi1>, vector<128x8192xf32>
        %swap3A_139 = arith.constant 0 : index
        %swap3A_140 = arith.constant 0 : index
        %swap3A_141 = vector.load %arg5[%swap3A_139, %swap3A_140] : memref<128x8192xf32, #tpu.memory_space<vmem>>, vector<128x8192xf32>
        tpu.vector_store %arg5[%swap3A_139, %swap3A_140], %select_n3A_138 {strides = array<i32>} : memref<128x8192xf32, #tpu.memory_space<vmem>>, vector<128x8192xf32>,
        %get3A_142 = arith.constant 0 : index
        %get3A_143 = arith.constant 0 : index
        %get3A_144 = vector.load %arg6[%get3A_142, %get3A_143] : memref<128x16xf32, #tpu.memory_space<vmem>>, vector<128x16xf32>
        %get3A_145 = arith.constant 0 : index
        %get3A_146 = arith.constant 0 : index
        %get3A_147 = vector.load %arg7[%get3A_145, %get3A_146] : memref<128x16xi32, #tpu.memory_space<vmem>>, vector<128x16xi32>
        %reduce_max3A_148 = arith.constant dense<0xFF800000> : vector<128xf32>
        %reduce_max3A_149 = vector.multi_reduction <maximumf>, %get3A_144, %reduce_max3A_148 [1] : vector<128x16xf32> to vector<128xf32>
        %broadcast_in_dim3A_150 = vector.shape_cast %reduce_max3A_149 : vector<128xf32> to vector<128x1xf32>
        %eq3A_151 = vector.broadcast %broadcast_in_dim3A_150 : vector<128x1xf32> to vector<128x16xf32>
        %eq3A_152 = arith.cmpf oeq, %get3A_144, %eq3A_151 : vector<128x16xf32>
        %jit3A_153 = arith.constant 1073741824 : i32
        %broadcast_in_dim3A_154 = vector.broadcast %jit3A_153 : i32 to vector<128x16xi32>
        %select_n3A_155 = arith.select %eq3A_152, %iota3A, %broadcast_in_dim3A_154 : vector<128x16xi1>, vector<128x16xi32>
        %reduce_min3A_156 = arith.constant dense<2147483647> : vector<128xi32>
        %reduce_min3A_157 = vector.multi_reduction <minsi>, %select_n3A_155, %reduce_min3A_156 [1] : vector<128x16xi32> to vector<128xi32>
        %broadcast_in_dim3A_158 = vector.shape_cast %reduce_min3A_157 : vector<128xi32> to vector<128x1xi32>
        %eq3A_159 = vector.broadcast %broadcast_in_dim3A_158 : vector<128x1xi32> to vector<128x16xi32>
        %eq3A_160 = arith.cmpi eq, %iota3A, %eq3A_159 : vector<128x16xi32>
        %lt3A_161 = arith.cmpf olt, %broadcast_in_dim3A_125, %broadcast_in_dim3A_150 : vector<128x1xf32>
        %and3A = vector.broadcast %lt3A_161 : vector<128x1xi1> to vector<128x16xi1>
        %and3A_162 = arith.andi %eq3A_160, %and3A : vector<128x16xi1>
        %broadcast_in_dim3A_163 = vector.shape_cast %broadcast_in_dim3A_125 : vector<128x1xf32> to vector<128x1xf32>
        %broadcast_in_dim3A_164 = vector.broadcast %broadcast_in_dim3A_163 : vector<128x1xf32> to vector<128x16xf32>
        %select_n3A_165 = arith.select %and3A_162, %broadcast_in_dim3A_164, %get3A_144 : vector<128x16xi1>, vector<128x16xf32>
        %swap3A_166 = arith.constant 0 : index
        %swap3A_167 = arith.constant 0 : index
        %swap3A_168 = vector.load %arg6[%swap3A_166, %swap3A_167] : memref<128x16xf32, #tpu.memory_space<vmem>>, vector<128x16xf32>
        tpu.vector_store %arg6[%swap3A_166, %swap3A_167], %select_n3A_165 {strides = array<i32>} : memref<128x16xf32, #tpu.memory_space<vmem>>, vector<128x16xf32>,
        %broadcast_in_dim3A_169 = vector.shape_cast %broadcast_in_dim3A_133 : vector<128x1xi32> to vector<128x1xi32>
        %broadcast_in_dim3A_170 = vector.broadcast %broadcast_in_dim3A_169 : vector<128x1xi32> to vector<128x16xi32>
        %select_n3A_171 = arith.select %and3A_162, %broadcast_in_dim3A_170, %get3A_147 : vector<128x16xi1>, vector<128x16xi32>
        %swap3A_172 = arith.constant 0 : index
        %swap3A_173 = arith.constant 0 : index
        %swap3A_174 = vector.load %arg7[%swap3A_172, %swap3A_173] : memref<128x16xi32, #tpu.memory_space<vmem>>, vector<128x16xi32>
        tpu.vector_store %arg7[%swap3A_172, %swap3A_173], %select_n3A_171 {strides = array<i32>} : memref<128x16xi32, #tpu.memory_space<vmem>>, vector<128x16xi32>,
      } else {
      }
    } else {
    }
    %eq3A_56 = arith.constant 122 : i32
    %eq3A_57 = arith.cmpi eq, %arg0, %eq3A_56 : i32
    %convert_element_type3A_58 = arith.extui %eq3A_57 : i1 to i32
    %cond3A_59 = arith.constant 0 : i32
    %cond3A_60 = arith.cmpi ne, %convert_element_type3A_58, %cond3A_59 : i32
    scf.if %cond3A_60 {
      %lt3A_61 = arith.constant 10 : i32
      %lt3A_62 = vector.broadcast %lt3A_61 : i32 to vector<128x16xi32>
      %lt3A_63 = arith.cmpi slt, %iota3A, %lt3A_62 : vector<128x16xi32>
      %get3A_64 = arith.constant 0 : index
      %get3A_65 = arith.constant 0 : index
      %get3A_66 = vector.load %arg6[%get3A_64, %get3A_65] : memref<128x16xf32, #tpu.memory_space<vmem>>, vector<128x16xf32>
      %jit3A_67 = arith.constant 0x7F800000 : f32
      %broadcast_in_dim3A_68 = vector.broadcast %jit3A_67 : f32 to vector<128x16xf32>
      %select_n3A_69 = arith.select %lt3A_63, %get3A_66, %broadcast_in_dim3A_68 : vector<128x16xi1>, vector<128x16xf32>
      %get3A_70 = arith.constant 0 : index
      %get3A_71 = arith.constant 0 : index
      %get3A_72 = vector.load %arg7[%get3A_70, %get3A_71] : memref<128x16xi32, #tpu.memory_space<vmem>>, vector<128x16xi32>
      %broadcast_in_dim3A_73 = arith.constant 0.000000e+00 : f32
      %broadcast_in_dim3A_74 = vector.broadcast %broadcast_in_dim3A_73 : f32 to vector<128x16xf32>
      %broadcast_in_dim3A_75 = arith.constant 0 : i32
      %broadcast_in_dim3A_76 = vector.broadcast %broadcast_in_dim3A_75 : i32 to vector<128x16xi32>
      %reduce_min3A_77 = arith.constant dense<0x7F800000> : vector<128xf32>
      %reduce_min3A_78 = vector.multi_reduction <minimumf>, %select_n3A_69, %reduce_min3A_77 [1] : vector<128x16xf32> to vector<128xf32>
      %broadcast_in_dim3A_79 = vector.shape_cast %reduce_min3A_78 : vector<128xf32> to vector<128x1xf32>
      %eq3A_80 = vector.broadcast %broadcast_in_dim3A_79 : vector<128x1xf32> to vector<128x16xf32>
      %eq3A_81 = arith.cmpf oeq, %select_n3A_69, %eq3A_80 : vector<128x16xf32>
      %jit3A_82 = arith.constant 1073741824 : i32
      %broadcast_in_dim3A_83 = vector.broadcast %jit3A_82 : i32 to vector<128x16xi32>
      %select_n3A_84 = arith.select %eq3A_81, %get3A_72, %broadcast_in_dim3A_83 : vector<128x16xi1>, vector<128x16xi32>
      %reduce_min3A_85 = arith.constant dense<2147483647> : vector<128xi32>
      %reduce_min3A_86 = vector.multi_reduction <minsi>, %select_n3A_84, %reduce_min3A_85 [1] : vector<128x16xi32> to vector<128xi32>
      %broadcast_in_dim3A_87 = vector.shape_cast %reduce_min3A_86 : vector<128xi32> to vector<128x1xi32>
      %eq3A_88 = arith.constant 0 : i32
      %eq3A_89 = vector.broadcast %eq3A_88 : i32 to vector<128x16xi32>
      %eq3A_90 = arith.cmpi eq, %iota3A, %eq3A_89 : vector<128x16xi32>
      %broadcast_in_dim3A_91 = vector.shape_cast %broadcast_in_dim3A_79 : vector<128x1xf32> to vector<128x1xf32>
      %broadcast_in_dim3A_92 = vector.broadcast %broadcast_in_dim3A_91 : vector<128x1xf32> to vector<128x16xf32>
      %select_n3A_93 = arith.select %eq3A_90, %broadcast_in_dim3A_92, %broadcast_in_dim3A_74 : vector<128x16xi1>, vector<128x16xf32>
      %eq3A_94 = arith.constant 0 : i32
      %eq3A_95 = vector.broadcast %eq3A_94 : i32 to vector<128x16xi32>
      %eq3A_96 = arith.cmpi eq, %iota3A, %eq3A_95 : vector<128x16xi32>
      %broadcast_in_dim3A_97 = vector.shape_cast %broadcast_in_dim3A_87 : vector<128x1xi32> to vector<128x1xi32>
      %broadcast_in_dim3A_98 = vector.broadcast %broadcast_in_dim3A_97 : vector<128x1xi32> to vector<128x16xi32>
      %select_n3A_99 = arith.select %eq3A_96, %broadcast_in_dim3A_98, %broadcast_in_dim3A_76 : vector<128x16xi1>, vector<128x16xi32>
      %eq3A_100 = vector.broadcast %broadcast_in_dim3A_79 : vector<128x1xf32> to vector<128x16xf32>
      %eq3A_101 = arith.cmpf oeq, %select_n3A_69, %eq3A_100 : vector<128x16xf32>
      %eq3A_102 = vector.broadcast %broadcast_in_dim3A_87 : vector<128x1xi32> to vector<128x16xi32>
      %eq3A_103 = arith.cmpi eq, %get3A_72, %eq3A_102 : vector<128x16xi32>
      %and3A = arith.andi %eq3A_101, %eq3A_103 : vector<128x16xi1>
      %jit3A_104 = arith.constant 0x7F800000 : f32
      %broadcast_in_dim3A_105 = vector.broadcast %jit3A_104 : f32 to vector<128x16xf32>
      %select_n3A_106 = arith.select %and3A, %broadcast_in_dim3A_105, %select_n3A_69 : vector<128x16xi1>, vector<128x16xf32>
      %reduce_min3A_107 = arith.constant dense<0x7F800000> : vector<128xf32>
      %reduce_min3A_108 = vector.multi_reduction <minimumf>, %select_n3A_106, %reduce_min3A_107 [1] : vector<128x16xf32> to vector<128xf32>
      %broadcast_in_dim3A_109 = vector.shape_cast %reduce_min3A_108 : vector<128xf32> to vector<128x1xf32>
      %eq3A_110 = vector.broadcast %broadcast_in_dim3A_109 : vector<128x1xf32> to vector<128x16xf32>
      %eq3A_111 = arith.cmpf oeq, %select_n3A_106, %eq3A_110 : vector<128x16xf32>
      %jit3A_112 = arith.constant 1073741824 : i32
      %broadcast_in_dim3A_113 = vector.broadcast %jit3A_112 : i32 to vector<128x16xi32>
      %select_n3A_114 = arith.select %eq3A_111, %get3A_72, %broadcast_in_dim3A_113 : vector<128x16xi1>, vector<128x16xi32>
      %reduce_min3A_115 = arith.constant dense<2147483647> : vector<128xi32>
      %reduce_min3A_116 = vector.multi_reduction <minsi>, %select_n3A_114, %reduce_min3A_115 [1] : vector<128x16xi32> to vector<128xi32>
      %broadcast_in_dim3A_117 = vector.shape_cast %reduce_min3A_116 : vector<128xi32> to vector<128x1xi32>
      %eq3A_118 = arith.constant 1 : i32
      %eq3A_119 = vector.broadcast %eq3A_118 : i32 to vector<128x16xi32>
      %eq3A_120 = arith.cmpi eq, %iota3A, %eq3A_119 : vector<128x16xi32>
      %broadcast_in_dim3A_121 = vector.shape_cast %broadcast_in_dim3A_109 : vector<128x1xf32> to vector<128x1xf32>
      %broadcast_in_dim3A_122 = vector.broadcast %broadcast_in_dim3A_121 : vector<128x1xf32> to vector<128x16xf32>
      %select_n3A_123 = arith.select %eq3A_120, %broadcast_in_dim3A_122, %select_n3A_93 : vector<128x16xi1>, vector<128x16xf32>
      %eq3A_124 = arith.constant 1 : i32
      %eq3A_125 = vector.broadcast %eq3A_124 : i32 to vector<128x16xi32>
      %eq3A_126 = arith.cmpi eq, %iota3A, %eq3A_125 : vector<128x16xi32>
      %broadcast_in_dim3A_127 = vector.shape_cast %broadcast_in_dim3A_117 : vector<128x1xi32> to vector<128x1xi32>
      %broadcast_in_dim3A_128 = vector.broadcast %broadcast_in_dim3A_127 : vector<128x1xi32> to vector<128x16xi32>
      %select_n3A_129 = arith.select %eq3A_126, %broadcast_in_dim3A_128, %select_n3A_99 : vector<128x16xi1>, vector<128x16xi32>
      %eq3A_130 = vector.broadcast %broadcast_in_dim3A_109 : vector<128x1xf32> to vector<128x16xf32>
      %eq3A_131 = arith.cmpf oeq, %select_n3A_106, %eq3A_130 : vector<128x16xf32>
      %eq3A_132 = vector.broadcast %broadcast_in_dim3A_117 : vector<128x1xi32> to vector<128x16xi32>
      %eq3A_133 = arith.cmpi eq, %get3A_72, %eq3A_132 : vector<128x16xi32>
      %and3A_134 = arith.andi %eq3A_131, %eq3A_133 : vector<128x16xi1>
      %jit3A_135 = arith.constant 0x7F800000 : f32
      %broadcast_in_dim3A_136 = vector.broadcast %jit3A_135 : f32 to vector<128x16xf32>
      %select_n3A_137 = arith.select %and3A_134, %broadcast_in_dim3A_136, %select_n3A_106 : vector<128x16xi1>, vector<128x16xf32>
      %reduce_min3A_138 = arith.constant dense<0x7F800000> : vector<128xf32>
      %reduce_min3A_139 = vector.multi_reduction <minimumf>, %select_n3A_137, %reduce_min3A_138 [1] : vector<128x16xf32> to vector<128xf32>
      %broadcast_in_dim3A_140 = vector.shape_cast %reduce_min3A_139 : vector<128xf32> to vector<128x1xf32>
      %eq3A_141 = vector.broadcast %broadcast_in_dim3A_140 : vector<128x1xf32> to vector<128x16xf32>
      %eq3A_142 = arith.cmpf oeq, %select_n3A_137, %eq3A_141 : vector<128x16xf32>
      %jit3A_143 = arith.constant 1073741824 : i32
      %broadcast_in_dim3A_144 = vector.broadcast %jit3A_143 : i32 to vector<128x16xi32>
      %select_n3A_145 = arith.select %eq3A_142, %get3A_72, %broadcast_in_dim3A_144 : vector<128x16xi1>, vector<128x16xi32>
      %reduce_min3A_146 = arith.constant dense<2147483647> : vector<128xi32>
      %reduce_min3A_147 = vector.multi_reduction <minsi>, %select_n3A_145, %reduce_min3A_146 [1] : vector<128x16xi32> to vector<128xi32>
      %broadcast_in_dim3A_148 = vector.shape_cast %reduce_min3A_147 : vector<128xi32> to vector<128x1xi32>
      %eq3A_149 = arith.constant 2 : i32
      %eq3A_150 = vector.broadcast %eq3A_149 : i32 to vector<128x16xi32>
      %eq3A_151 = arith.cmpi eq, %iota3A, %eq3A_150 : vector<128x16xi32>
      %broadcast_in_dim3A_152 = vector.shape_cast %broadcast_in_dim3A_140 : vector<128x1xf32> to vector<128x1xf32>
      %broadcast_in_dim3A_153 = vector.broadcast %broadcast_in_dim3A_152 : vector<128x1xf32> to vector<128x16xf32>
      %select_n3A_154 = arith.select %eq3A_151, %broadcast_in_dim3A_153, %select_n3A_123 : vector<128x16xi1>, vector<128x16xf32>
      %eq3A_155 = arith.constant 2 : i32
      %eq3A_156 = vector.broadcast %eq3A_155 : i32 to vector<128x16xi32>
      %eq3A_157 = arith.cmpi eq, %iota3A, %eq3A_156 : vector<128x16xi32>
      %broadcast_in_dim3A_158 = vector.shape_cast %broadcast_in_dim3A_148 : vector<128x1xi32> to vector<128x1xi32>
      %broadcast_in_dim3A_159 = vector.broadcast %broadcast_in_dim3A_158 : vector<128x1xi32> to vector<128x16xi32>
      %select_n3A_160 = arith.select %eq3A_157, %broadcast_in_dim3A_159, %select_n3A_129 : vector<128x16xi1>, vector<128x16xi32>
      %eq3A_161 = vector.broadcast %broadcast_in_dim3A_140 : vector<128x1xf32> to vector<128x16xf32>
      %eq3A_162 = arith.cmpf oeq, %select_n3A_137, %eq3A_161 : vector<128x16xf32>
      %eq3A_163 = vector.broadcast %broadcast_in_dim3A_148 : vector<128x1xi32> to vector<128x16xi32>
      %eq3A_164 = arith.cmpi eq, %get3A_72, %eq3A_163 : vector<128x16xi32>
      %and3A_165 = arith.andi %eq3A_162, %eq3A_164 : vector<128x16xi1>
      %jit3A_166 = arith.constant 0x7F800000 : f32
      %broadcast_in_dim3A_167 = vector.broadcast %jit3A_166 : f32 to vector<128x16xf32>
      %select_n3A_168 = arith.select %and3A_165, %broadcast_in_dim3A_167, %select_n3A_137 : vector<128x16xi1>, vector<128x16xf32>
      %reduce_min3A_169 = arith.constant dense<0x7F800000> : vector<128xf32>
      %reduce_min3A_170 = vector.multi_reduction <minimumf>, %select_n3A_168, %reduce_min3A_169 [1] : vector<128x16xf32> to vector<128xf32>
      %broadcast_in_dim3A_171 = vector.shape_cast %reduce_min3A_170 : vector<128xf32> to vector<128x1xf32>
      %eq3A_172 = vector.broadcast %broadcast_in_dim3A_171 : vector<128x1xf32> to vector<128x16xf32>
      %eq3A_173 = arith.cmpf oeq, %select_n3A_168, %eq3A_172 : vector<128x16xf32>
      %jit3A_174 = arith.constant 1073741824 : i32
      %broadcast_in_dim3A_175 = vector.broadcast %jit3A_174 : i32 to vector<128x16xi32>
      %select_n3A_176 = arith.select %eq3A_173, %get3A_72, %broadcast_in_dim3A_175 : vector<128x16xi1>, vector<128x16xi32>
      %reduce_min3A_177 = arith.constant dense<2147483647> : vector<128xi32>
      %reduce_min3A_178 = vector.multi_reduction <minsi>, %select_n3A_176, %reduce_min3A_177 [1] : vector<128x16xi32> to vector<128xi32>
      %broadcast_in_dim3A_179 = vector.shape_cast %reduce_min3A_178 : vector<128xi32> to vector<128x1xi32>
      %eq3A_180 = arith.constant 3 : i32
      %eq3A_181 = vector.broadcast %eq3A_180 : i32 to vector<128x16xi32>
      %eq3A_182 = arith.cmpi eq, %iota3A, %eq3A_181 : vector<128x16xi32>
      %broadcast_in_dim3A_183 = vector.shape_cast %broadcast_in_dim3A_171 : vector<128x1xf32> to vector<128x1xf32>
      %broadcast_in_dim3A_184 = vector.broadcast %broadcast_in_dim3A_183 : vector<128x1xf32> to vector<128x16xf32>
      %select_n3A_185 = arith.select %eq3A_182, %broadcast_in_dim3A_184, %select_n3A_154 : vector<128x16xi1>, vector<128x16xf32>
      %eq3A_186 = arith.constant 3 : i32
      %eq3A_187 = vector.broadcast %eq3A_186 : i32 to vector<128x16xi32>
      %eq3A_188 = arith.cmpi eq, %iota3A, %eq3A_187 : vector<128x16xi32>
      %broadcast_in_dim3A_189 = vector.shape_cast %broadcast_in_dim3A_179 : vector<128x1xi32> to vector<128x1xi32>
      %broadcast_in_dim3A_190 = vector.broadcast %broadcast_in_dim3A_189 : vector<128x1xi32> to vector<128x16xi32>
      %select_n3A_191 = arith.select %eq3A_188, %broadcast_in_dim3A_190, %select_n3A_160 : vector<128x16xi1>, vector<128x16xi32>
      %eq3A_192 = vector.broadcast %broadcast_in_dim3A_171 : vector<128x1xf32> to vector<128x16xf32>
      %eq3A_193 = arith.cmpf oeq, %select_n3A_168, %eq3A_192 : vector<128x16xf32>
      %eq3A_194 = vector.broadcast %broadcast_in_dim3A_179 : vector<128x1xi32> to vector<128x16xi32>
      %eq3A_195 = arith.cmpi eq, %get3A_72, %eq3A_194 : vector<128x16xi32>
      %and3A_196 = arith.andi %eq3A_193, %eq3A_195 : vector<128x16xi1>
      %jit3A_197 = arith.constant 0x7F800000 : f32
      %broadcast_in_dim3A_198 = vector.broadcast %jit3A_197 : f32 to vector<128x16xf32>
      %select_n3A_199 = arith.select %and3A_196, %broadcast_in_dim3A_198, %select_n3A_168 : vector<128x16xi1>, vector<128x16xf32>
      %reduce_min3A_200 = arith.constant dense<0x7F800000> : vector<128xf32>
      %reduce_min3A_201 = vector.multi_reduction <minimumf>, %select_n3A_199, %reduce_min3A_200 [1] : vector<128x16xf32> to vector<128xf32>
      %broadcast_in_dim3A_202 = vector.shape_cast %reduce_min3A_201 : vector<128xf32> to vector<128x1xf32>
      %eq3A_203 = vector.broadcast %broadcast_in_dim3A_202 : vector<128x1xf32> to vector<128x16xf32>
      %eq3A_204 = arith.cmpf oeq, %select_n3A_199, %eq3A_203 : vector<128x16xf32>
      %jit3A_205 = arith.constant 1073741824 : i32
      %broadcast_in_dim3A_206 = vector.broadcast %jit3A_205 : i32 to vector<128x16xi32>
      %select_n3A_207 = arith.select %eq3A_204, %get3A_72, %broadcast_in_dim3A_206 : vector<128x16xi1>, vector<128x16xi32>
      %reduce_min3A_208 = arith.constant dense<2147483647> : vector<128xi32>
      %reduce_min3A_209 = vector.multi_reduction <minsi>, %select_n3A_207, %reduce_min3A_208 [1] : vector<128x16xi32> to vector<128xi32>
      %broadcast_in_dim3A_210 = vector.shape_cast %reduce_min3A_209 : vector<128xi32> to vector<128x1xi32>
      %eq3A_211 = arith.constant 4 : i32
      %eq3A_212 = vector.broadcast %eq3A_211 : i32 to vector<128x16xi32>
      %eq3A_213 = arith.cmpi eq, %iota3A, %eq3A_212 : vector<128x16xi32>
      %broadcast_in_dim3A_214 = vector.shape_cast %broadcast_in_dim3A_202 : vector<128x1xf32> to vector<128x1xf32>
      %broadcast_in_dim3A_215 = vector.broadcast %broadcast_in_dim3A_214 : vector<128x1xf32> to vector<128x16xf32>
      %select_n3A_216 = arith.select %eq3A_213, %broadcast_in_dim3A_215, %select_n3A_185 : vector<128x16xi1>, vector<128x16xf32>
      %eq3A_217 = arith.constant 4 : i32
      %eq3A_218 = vector.broadcast %eq3A_217 : i32 to vector<128x16xi32>
      %eq3A_219 = arith.cmpi eq, %iota3A, %eq3A_218 : vector<128x16xi32>
      %broadcast_in_dim3A_220 = vector.shape_cast %broadcast_in_dim3A_210 : vector<128x1xi32> to vector<128x1xi32>
      %broadcast_in_dim3A_221 = vector.broadcast %broadcast_in_dim3A_220 : vector<128x1xi32> to vector<128x16xi32>
      %select_n3A_222 = arith.select %eq3A_219, %broadcast_in_dim3A_221, %select_n3A_191 : vector<128x16xi1>, vector<128x16xi32>
      %eq3A_223 = vector.broadcast %broadcast_in_dim3A_202 : vector<128x1xf32> to vector<128x16xf32>
      %eq3A_224 = arith.cmpf oeq, %select_n3A_199, %eq3A_223 : vector<128x16xf32>
      %eq3A_225 = vector.broadcast %broadcast_in_dim3A_210 : vector<128x1xi32> to vector<128x16xi32>
      %eq3A_226 = arith.cmpi eq, %get3A_72, %eq3A_225 : vector<128x16xi32>
      %and3A_227 = arith.andi %eq3A_224, %eq3A_226 : vector<128x16xi1>
      %jit3A_228 = arith.constant 0x7F800000 : f32
      %broadcast_in_dim3A_229 = vector.broadcast %jit3A_228 : f32 to vector<128x16xf32>
      %select_n3A_230 = arith.select %and3A_227, %broadcast_in_dim3A_229, %select_n3A_199 : vector<128x16xi1>, vector<128x16xf32>
      %reduce_min3A_231 = arith.constant dense<0x7F800000> : vector<128xf32>
      %reduce_min3A_232 = vector.multi_reduction <minimumf>, %select_n3A_230, %reduce_min3A_231 [1] : vector<128x16xf32> to vector<128xf32>
      %broadcast_in_dim3A_233 = vector.shape_cast %reduce_min3A_232 : vector<128xf32> to vector<128x1xf32>
      %eq3A_234 = vector.broadcast %broadcast_in_dim3A_233 : vector<128x1xf32> to vector<128x16xf32>
      %eq3A_235 = arith.cmpf oeq, %select_n3A_230, %eq3A_234 : vector<128x16xf32>
      %jit3A_236 = arith.constant 1073741824 : i32
      %broadcast_in_dim3A_237 = vector.broadcast %jit3A_236 : i32 to vector<128x16xi32>
      %select_n3A_238 = arith.select %eq3A_235, %get3A_72, %broadcast_in_dim3A_237 : vector<128x16xi1>, vector<128x16xi32>
      %reduce_min3A_239 = arith.constant dense<2147483647> : vector<128xi32>
      %reduce_min3A_240 = vector.multi_reduction <minsi>, %select_n3A_238, %reduce_min3A_239 [1] : vector<128x16xi32> to vector<128xi32>
      %broadcast_in_dim3A_241 = vector.shape_cast %reduce_min3A_240 : vector<128xi32> to vector<128x1xi32>
      %eq3A_242 = arith.constant 5 : i32
      %eq3A_243 = vector.broadcast %eq3A_242 : i32 to vector<128x16xi32>
      %eq3A_244 = arith.cmpi eq, %iota3A, %eq3A_243 : vector<128x16xi32>
      %broadcast_in_dim3A_245 = vector.shape_cast %broadcast_in_dim3A_233 : vector<128x1xf32> to vector<128x1xf32>
      %broadcast_in_dim3A_246 = vector.broadcast %broadcast_in_dim3A_245 : vector<128x1xf32> to vector<128x16xf32>
      %select_n3A_247 = arith.select %eq3A_244, %broadcast_in_dim3A_246, %select_n3A_216 : vector<128x16xi1>, vector<128x16xf32>
      %eq3A_248 = arith.constant 5 : i32
      %eq3A_249 = vector.broadcast %eq3A_248 : i32 to vector<128x16xi32>
      %eq3A_250 = arith.cmpi eq, %iota3A, %eq3A_249 : vector<128x16xi32>
      %broadcast_in_dim3A_251 = vector.shape_cast %broadcast_in_dim3A_241 : vector<128x1xi32> to vector<128x1xi32>
      %broadcast_in_dim3A_252 = vector.broadcast %broadcast_in_dim3A_251 : vector<128x1xi32> to vector<128x16xi32>
      %select_n3A_253 = arith.select %eq3A_250, %broadcast_in_dim3A_252, %select_n3A_222 : vector<128x16xi1>, vector<128x16xi32>
      %eq3A_254 = vector.broadcast %broadcast_in_dim3A_233 : vector<128x1xf32> to vector<128x16xf32>
      %eq3A_255 = arith.cmpf oeq, %select_n3A_230, %eq3A_254 : vector<128x16xf32>
      %eq3A_256 = vector.broadcast %broadcast_in_dim3A_241 : vector<128x1xi32> to vector<128x16xi32>
      %eq3A_257 = arith.cmpi eq, %get3A_72, %eq3A_256 : vector<128x16xi32>
      %and3A_258 = arith.andi %eq3A_255, %eq3A_257 : vector<128x16xi1>
      %jit3A_259 = arith.constant 0x7F800000 : f32
      %broadcast_in_dim3A_260 = vector.broadcast %jit3A_259 : f32 to vector<128x16xf32>
      %select_n3A_261 = arith.select %and3A_258, %broadcast_in_dim3A_260, %select_n3A_230 : vector<128x16xi1>, vector<128x16xf32>
      %reduce_min3A_262 = arith.constant dense<0x7F800000> : vector<128xf32>
      %reduce_min3A_263 = vector.multi_reduction <minimumf>, %select_n3A_261, %reduce_min3A_262 [1] : vector<128x16xf32> to vector<128xf32>
      %broadcast_in_dim3A_264 = vector.shape_cast %reduce_min3A_263 : vector<128xf32> to vector<128x1xf32>
      %eq3A_265 = vector.broadcast %broadcast_in_dim3A_264 : vector<128x1xf32> to vector<128x16xf32>
      %eq3A_266 = arith.cmpf oeq, %select_n3A_261, %eq3A_265 : vector<128x16xf32>
      %jit3A_267 = arith.constant 1073741824 : i32
      %broadcast_in_dim3A_268 = vector.broadcast %jit3A_267 : i32 to vector<128x16xi32>
      %select_n3A_269 = arith.select %eq3A_266, %get3A_72, %broadcast_in_dim3A_268 : vector<128x16xi1>, vector<128x16xi32>
      %reduce_min3A_270 = arith.constant dense<2147483647> : vector<128xi32>
      %reduce_min3A_271 = vector.multi_reduction <minsi>, %select_n3A_269, %reduce_min3A_270 [1] : vector<128x16xi32> to vector<128xi32>
      %broadcast_in_dim3A_272 = vector.shape_cast %reduce_min3A_271 : vector<128xi32> to vector<128x1xi32>
      %eq3A_273 = arith.constant 6 : i32
      %eq3A_274 = vector.broadcast %eq3A_273 : i32 to vector<128x16xi32>
      %eq3A_275 = arith.cmpi eq, %iota3A, %eq3A_274 : vector<128x16xi32>
      %broadcast_in_dim3A_276 = vector.shape_cast %broadcast_in_dim3A_264 : vector<128x1xf32> to vector<128x1xf32>
      %broadcast_in_dim3A_277 = vector.broadcast %broadcast_in_dim3A_276 : vector<128x1xf32> to vector<128x16xf32>
      %select_n3A_278 = arith.select %eq3A_275, %broadcast_in_dim3A_277, %select_n3A_247 : vector<128x16xi1>, vector<128x16xf32>
      %eq3A_279 = arith.constant 6 : i32
      %eq3A_280 = vector.broadcast %eq3A_279 : i32 to vector<128x16xi32>
      %eq3A_281 = arith.cmpi eq, %iota3A, %eq3A_280 : vector<128x16xi32>
      %broadcast_in_dim3A_282 = vector.shape_cast %broadcast_in_dim3A_272 : vector<128x1xi32> to vector<128x1xi32>
      %broadcast_in_dim3A_283 = vector.broadcast %broadcast_in_dim3A_282 : vector<128x1xi32> to vector<128x16xi32>
      %select_n3A_284 = arith.select %eq3A_281, %broadcast_in_dim3A_283, %select_n3A_253 : vector<128x16xi1>, vector<128x16xi32>
      %eq3A_285 = vector.broadcast %broadcast_in_dim3A_264 : vector<128x1xf32> to vector<128x16xf32>
      %eq3A_286 = arith.cmpf oeq, %select_n3A_261, %eq3A_285 : vector<128x16xf32>
      %eq3A_287 = vector.broadcast %broadcast_in_dim3A_272 : vector<128x1xi32> to vector<128x16xi32>
      %eq3A_288 = arith.cmpi eq, %get3A_72, %eq3A_287 : vector<128x16xi32>
      %and3A_289 = arith.andi %eq3A_286, %eq3A_288 : vector<128x16xi1>
      %jit3A_290 = arith.constant 0x7F800000 : f32
      %broadcast_in_dim3A_291 = vector.broadcast %jit3A_290 : f32 to vector<128x16xf32>
      %select_n3A_292 = arith.select %and3A_289, %broadcast_in_dim3A_291, %select_n3A_261 : vector<128x16xi1>, vector<128x16xf32>
      %reduce_min3A_293 = arith.constant dense<0x7F800000> : vector<128xf32>
      %reduce_min3A_294 = vector.multi_reduction <minimumf>, %select_n3A_292, %reduce_min3A_293 [1] : vector<128x16xf32> to vector<128xf32>
      %broadcast_in_dim3A_295 = vector.shape_cast %reduce_min3A_294 : vector<128xf32> to vector<128x1xf32>
      %eq3A_296 = vector.broadcast %broadcast_in_dim3A_295 : vector<128x1xf32> to vector<128x16xf32>
      %eq3A_297 = arith.cmpf oeq, %select_n3A_292, %eq3A_296 : vector<128x16xf32>
      %jit3A_298 = arith.constant 1073741824 : i32
      %broadcast_in_dim3A_299 = vector.broadcast %jit3A_298 : i32 to vector<128x16xi32>
      %select_n3A_300 = arith.select %eq3A_297, %get3A_72, %broadcast_in_dim3A_299 : vector<128x16xi1>, vector<128x16xi32>
      %reduce_min3A_301 = arith.constant dense<2147483647> : vector<128xi32>
      %reduce_min3A_302 = vector.multi_reduction <minsi>, %select_n3A_300, %reduce_min3A_301 [1] : vector<128x16xi32> to vector<128xi32>
      %broadcast_in_dim3A_303 = vector.shape_cast %reduce_min3A_302 : vector<128xi32> to vector<128x1xi32>
      %eq3A_304 = arith.constant 7 : i32
      %eq3A_305 = vector.broadcast %eq3A_304 : i32 to vector<128x16xi32>
      %eq3A_306 = arith.cmpi eq, %iota3A, %eq3A_305 : vector<128x16xi32>
      %broadcast_in_dim3A_307 = vector.shape_cast %broadcast_in_dim3A_295 : vector<128x1xf32> to vector<128x1xf32>
      %broadcast_in_dim3A_308 = vector.broadcast %broadcast_in_dim3A_307 : vector<128x1xf32> to vector<128x16xf32>
      %select_n3A_309 = arith.select %eq3A_306, %broadcast_in_dim3A_308, %select_n3A_278 : vector<128x16xi1>, vector<128x16xf32>
      %eq3A_310 = arith.constant 7 : i32
      %eq3A_311 = vector.broadcast %eq3A_310 : i32 to vector<128x16xi32>
      %eq3A_312 = arith.cmpi eq, %iota3A, %eq3A_311 : vector<128x16xi32>
      %broadcast_in_dim3A_313 = vector.shape_cast %broadcast_in_dim3A_303 : vector<128x1xi32> to vector<128x1xi32>
      %broadcast_in_dim3A_314 = vector.broadcast %broadcast_in_dim3A_313 : vector<128x1xi32> to vector<128x16xi32>
      %select_n3A_315 = arith.select %eq3A_312, %broadcast_in_dim3A_314, %select_n3A_284 : vector<128x16xi1>, vector<128x16xi32>
      %eq3A_316 = vector.broadcast %broadcast_in_dim3A_295 : vector<128x1xf32> to vector<128x16xf32>
      %eq3A_317 = arith.cmpf oeq, %select_n3A_292, %eq3A_316 : vector<128x16xf32>
      %eq3A_318 = vector.broadcast %broadcast_in_dim3A_303 : vector<128x1xi32> to vector<128x16xi32>
      %eq3A_319 = arith.cmpi eq, %get3A_72, %eq3A_318 : vector<128x16xi32>
      %and3A_320 = arith.andi %eq3A_317, %eq3A_319 : vector<128x16xi1>
      %jit3A_321 = arith.constant 0x7F800000 : f32
      %broadcast_in_dim3A_322 = vector.broadcast %jit3A_321 : f32 to vector<128x16xf32>
      %select_n3A_323 = arith.select %and3A_320, %broadcast_in_dim3A_322, %select_n3A_292 : vector<128x16xi1>, vector<128x16xf32>
      %reduce_min3A_324 = arith.constant dense<0x7F800000> : vector<128xf32>
      %reduce_min3A_325 = vector.multi_reduction <minimumf>, %select_n3A_323, %reduce_min3A_324 [1] : vector<128x16xf32> to vector<128xf32>
      %broadcast_in_dim3A_326 = vector.shape_cast %reduce_min3A_325 : vector<128xf32> to vector<128x1xf32>
      %eq3A_327 = vector.broadcast %broadcast_in_dim3A_326 : vector<128x1xf32> to vector<128x16xf32>
      %eq3A_328 = arith.cmpf oeq, %select_n3A_323, %eq3A_327 : vector<128x16xf32>
      %jit3A_329 = arith.constant 1073741824 : i32
      %broadcast_in_dim3A_330 = vector.broadcast %jit3A_329 : i32 to vector<128x16xi32>
      %select_n3A_331 = arith.select %eq3A_328, %get3A_72, %broadcast_in_dim3A_330 : vector<128x16xi1>, vector<128x16xi32>
      %reduce_min3A_332 = arith.constant dense<2147483647> : vector<128xi32>
      %reduce_min3A_333 = vector.multi_reduction <minsi>, %select_n3A_331, %reduce_min3A_332 [1] : vector<128x16xi32> to vector<128xi32>
      %broadcast_in_dim3A_334 = vector.shape_cast %reduce_min3A_333 : vector<128xi32> to vector<128x1xi32>
      %eq3A_335 = arith.constant 8 : i32
      %eq3A_336 = vector.broadcast %eq3A_335 : i32 to vector<128x16xi32>
      %eq3A_337 = arith.cmpi eq, %iota3A, %eq3A_336 : vector<128x16xi32>
      %broadcast_in_dim3A_338 = vector.shape_cast %broadcast_in_dim3A_326 : vector<128x1xf32> to vector<128x1xf32>
      %broadcast_in_dim3A_339 = vector.broadcast %broadcast_in_dim3A_338 : vector<128x1xf32> to vector<128x16xf32>
      %select_n3A_340 = arith.select %eq3A_337, %broadcast_in_dim3A_339, %select_n3A_309 : vector<128x16xi1>, vector<128x16xf32>
      %eq3A_341 = arith.constant 8 : i32
      %eq3A_342 = vector.broadcast %eq3A_341 : i32 to vector<128x16xi32>
      %eq3A_343 = arith.cmpi eq, %iota3A, %eq3A_342 : vector<128x16xi32>
      %broadcast_in_dim3A_344 = vector.shape_cast %broadcast_in_dim3A_334 : vector<128x1xi32> to vector<128x1xi32>
      %broadcast_in_dim3A_345 = vector.broadcast %broadcast_in_dim3A_344 : vector<128x1xi32> to vector<128x16xi32>
      %select_n3A_346 = arith.select %eq3A_343, %broadcast_in_dim3A_345, %select_n3A_315 : vector<128x16xi1>, vector<128x16xi32>
      %eq3A_347 = vector.broadcast %broadcast_in_dim3A_326 : vector<128x1xf32> to vector<128x16xf32>
      %eq3A_348 = arith.cmpf oeq, %select_n3A_323, %eq3A_347 : vector<128x16xf32>
      %eq3A_349 = vector.broadcast %broadcast_in_dim3A_334 : vector<128x1xi32> to vector<128x16xi32>
      %eq3A_350 = arith.cmpi eq, %get3A_72, %eq3A_349 : vector<128x16xi32>
      %and3A_351 = arith.andi %eq3A_348, %eq3A_350 : vector<128x16xi1>
      %jit3A_352 = arith.constant 0x7F800000 : f32
      %broadcast_in_dim3A_353 = vector.broadcast %jit3A_352 : f32 to vector<128x16xf32>
      %select_n3A_354 = arith.select %and3A_351, %broadcast_in_dim3A_353, %select_n3A_323 : vector<128x16xi1>, vector<128x16xf32>
      %reduce_min3A_355 = arith.constant dense<0x7F800000> : vector<128xf32>
      %reduce_min3A_356 = vector.multi_reduction <minimumf>, %select_n3A_354, %reduce_min3A_355 [1] : vector<128x16xf32> to vector<128xf32>
      %broadcast_in_dim3A_357 = vector.shape_cast %reduce_min3A_356 : vector<128xf32> to vector<128x1xf32>
      %eq3A_358 = vector.broadcast %broadcast_in_dim3A_357 : vector<128x1xf32> to vector<128x16xf32>
      %eq3A_359 = arith.cmpf oeq, %select_n3A_354, %eq3A_358 : vector<128x16xf32>
      %jit3A_360 = arith.constant 1073741824 : i32
      %broadcast_in_dim3A_361 = vector.broadcast %jit3A_360 : i32 to vector<128x16xi32>
      %select_n3A_362 = arith.select %eq3A_359, %get3A_72, %broadcast_in_dim3A_361 : vector<128x16xi1>, vector<128x16xi32>
      %reduce_min3A_363 = arith.constant dense<2147483647> : vector<128xi32>
      %reduce_min3A_364 = vector.multi_reduction <minsi>, %select_n3A_362, %reduce_min3A_363 [1] : vector<128x16xi32> to vector<128xi32>
      %broadcast_in_dim3A_365 = vector.shape_cast %reduce_min3A_364 : vector<128xi32> to vector<128x1xi32>
      %eq3A_366 = arith.constant 9 : i32
      %eq3A_367 = vector.broadcast %eq3A_366 : i32 to vector<128x16xi32>
      %eq3A_368 = arith.cmpi eq, %iota3A, %eq3A_367 : vector<128x16xi32>
      %broadcast_in_dim3A_369 = vector.shape_cast %broadcast_in_dim3A_357 : vector<128x1xf32> to vector<128x1xf32>
      %broadcast_in_dim3A_370 = vector.broadcast %broadcast_in_dim3A_369 : vector<128x1xf32> to vector<128x16xf32>
      %select_n3A_371 = arith.select %eq3A_368, %broadcast_in_dim3A_370, %select_n3A_340 : vector<128x16xi1>, vector<128x16xf32>
      %eq3A_372 = arith.constant 9 : i32
      %eq3A_373 = vector.broadcast %eq3A_372 : i32 to vector<128x16xi32>
      %eq3A_374 = arith.cmpi eq, %iota3A, %eq3A_373 : vector<128x16xi32>
      %broadcast_in_dim3A_375 = vector.shape_cast %broadcast_in_dim3A_365 : vector<128x1xi32> to vector<128x1xi32>
      %broadcast_in_dim3A_376 = vector.broadcast %broadcast_in_dim3A_375 : vector<128x1xi32> to vector<128x16xi32>
      %select_n3A_377 = arith.select %eq3A_374, %broadcast_in_dim3A_376, %select_n3A_346 : vector<128x16xi1>, vector<128x16xi32>
      %swap3A_378 = arith.constant 0 : index
      %swap3A_379 = arith.constant 0 : index
      %swap3A_380 = vector.load %arg3[%swap3A_378, %swap3A_379] : memref<128x16xf32, #tpu.memory_space<vmem>>, vector<128x16xf32>
      tpu.vector_store %arg3[%swap3A_378, %swap3A_379], %select_n3A_371 {strides = array<i32>} : memref<128x16xf32, #tpu.memory_space<vmem>>, vector<128x16xf32>,
      %swap3A_381 = arith.constant 0 : index
      %swap3A_382 = arith.constant 0 : index
      %swap3A_383 = vector.load %arg4[%swap3A_381, %swap3A_382] : memref<128x16xi32, #tpu.memory_space<vmem>>, vector<128x16xi32>
      tpu.vector_store %arg4[%swap3A_381, %swap3A_382], %select_n3A_377 {strides = array<i32>} : memref<128x16xi32, #tpu.memory_space<vmem>>, vector<128x16xi32>,
    } else {
    }
    return
  }
  func.func @transform_0(%arg0: i32) -> (i32, i32) {
    %c0_i32 = arith.constant 0 : i32
    %c0_i32_0 = arith.constant 0 : i32
    %c0_i32_1 = arith.constant 0 : i32
    return %c0_i32, %c0_i32_0 : i32, i32
  }
  func.func @transform_1(%arg0: i32) -> (i32, i32) {
    %c0_i32 = arith.constant 0 : i32
    %c0_i32_0 = arith.constant 0 : i32
    return %arg0, %c0_i32 : i32, i32
  }
  func.func @transform_2(%arg0: i32) -> (i32, i32) {
    %c0_i32 = arith.constant 0 : i32
    %c0_i32_0 = arith.constant 0 : i32
    %c0_i32_1 = arith.constant 0 : i32
    return %c0_i32, %c0_i32_0 : i32, i32
  }
  func.func @transform_3(%arg0: i32) -> (i32, i32) {
    %c0_i32 = arith.constant 0 : i32
    %c0_i32_0 = arith.constant 0 : i32
    %c0_i32_1 = arith.constant 0 : i32
    return %c0_i32, %c0_i32_0 : i32, i32
  }
}

module attributes {stable_mosaic.version = 14 : i64} {
  func.func @_vote_body(%arg0: memref<128x10xi32, #tpu.memory_space<vmem>>, %arg1: memref<128x1xi32, #tpu.memory_space<vmem>>) attributes {dimension_semantics = [], scalar_prefetch = 0 : i64, scratch_operands = 0 : i64, tpu.core_type = #tpu.core_type<tc>} {
    %iota3A = tpu.iota {dimensions = array<i32: 1>} : vector<128x1024xi32>
    %broadcast_in_dim3A = arith.constant 0 : i32
    %broadcast_in_dim3A_0 = vector.broadcast %broadcast_in_dim3A : i32 to vector<128x1024xi32>
    %get3A = arith.constant 0 : index
    %get3A_1 = arith.constant 0 : index
    %get3A_2 = vector.load %arg0[%get3A, %get3A_1] : memref<128x10xi32, #tpu.memory_space<vmem>>, vector<128x1xi32>
    %eq3A = vector.broadcast %get3A_2 : vector<128x1xi32> to vector<128x1024xi32>
    %eq3A_3 = arith.cmpi eq, %iota3A, %eq3A : vector<128x1024xi32>
    %convert_element_type3A = arith.extui %eq3A_3 : vector<128x1024xi1> to vector<128x1024xi32>
    %add3A = arith.addi %broadcast_in_dim3A_0, %convert_element_type3A : vector<128x1024xi32>
    %get3A_4 = arith.constant 0 : index
    %get3A_5 = arith.constant 1 : index
    %get3A_6 = vector.load %arg0[%get3A_4, %get3A_5] : memref<128x10xi32, #tpu.memory_space<vmem>>, vector<128x1xi32>
    %eq3A_7 = vector.broadcast %get3A_6 : vector<128x1xi32> to vector<128x1024xi32>
    %eq3A_8 = arith.cmpi eq, %iota3A, %eq3A_7 : vector<128x1024xi32>
    %convert_element_type3A_9 = arith.extui %eq3A_8 : vector<128x1024xi1> to vector<128x1024xi32>
    %add3A_10 = arith.addi %add3A, %convert_element_type3A_9 : vector<128x1024xi32>
    %get3A_11 = arith.constant 0 : index
    %get3A_12 = arith.constant 2 : index
    %get3A_13 = vector.load %arg0[%get3A_11, %get3A_12] : memref<128x10xi32, #tpu.memory_space<vmem>>, vector<128x1xi32>
    %eq3A_14 = vector.broadcast %get3A_13 : vector<128x1xi32> to vector<128x1024xi32>
    %eq3A_15 = arith.cmpi eq, %iota3A, %eq3A_14 : vector<128x1024xi32>
    %convert_element_type3A_16 = arith.extui %eq3A_15 : vector<128x1024xi1> to vector<128x1024xi32>
    %add3A_17 = arith.addi %add3A_10, %convert_element_type3A_16 : vector<128x1024xi32>
    %get3A_18 = arith.constant 0 : index
    %get3A_19 = arith.constant 3 : index
    %get3A_20 = vector.load %arg0[%get3A_18, %get3A_19] : memref<128x10xi32, #tpu.memory_space<vmem>>, vector<128x1xi32>
    %eq3A_21 = vector.broadcast %get3A_20 : vector<128x1xi32> to vector<128x1024xi32>
    %eq3A_22 = arith.cmpi eq, %iota3A, %eq3A_21 : vector<128x1024xi32>
    %convert_element_type3A_23 = arith.extui %eq3A_22 : vector<128x1024xi1> to vector<128x1024xi32>
    %add3A_24 = arith.addi %add3A_17, %convert_element_type3A_23 : vector<128x1024xi32>
    %get3A_25 = arith.constant 0 : index
    %get3A_26 = arith.constant 4 : index
    %get3A_27 = vector.load %arg0[%get3A_25, %get3A_26] : memref<128x10xi32, #tpu.memory_space<vmem>>, vector<128x1xi32>
    %eq3A_28 = vector.broadcast %get3A_27 : vector<128x1xi32> to vector<128x1024xi32>
    %eq3A_29 = arith.cmpi eq, %iota3A, %eq3A_28 : vector<128x1024xi32>
    %convert_element_type3A_30 = arith.extui %eq3A_29 : vector<128x1024xi1> to vector<128x1024xi32>
    %add3A_31 = arith.addi %add3A_24, %convert_element_type3A_30 : vector<128x1024xi32>
    %get3A_32 = arith.constant 0 : index
    %get3A_33 = arith.constant 5 : index
    %get3A_34 = vector.load %arg0[%get3A_32, %get3A_33] : memref<128x10xi32, #tpu.memory_space<vmem>>, vector<128x1xi32>
    %eq3A_35 = vector.broadcast %get3A_34 : vector<128x1xi32> to vector<128x1024xi32>
    %eq3A_36 = arith.cmpi eq, %iota3A, %eq3A_35 : vector<128x1024xi32>
    %convert_element_type3A_37 = arith.extui %eq3A_36 : vector<128x1024xi1> to vector<128x1024xi32>
    %add3A_38 = arith.addi %add3A_31, %convert_element_type3A_37 : vector<128x1024xi32>
    %get3A_39 = arith.constant 0 : index
    %get3A_40 = arith.constant 6 : index
    %get3A_41 = vector.load %arg0[%get3A_39, %get3A_40] : memref<128x10xi32, #tpu.memory_space<vmem>>, vector<128x1xi32>
    %eq3A_42 = vector.broadcast %get3A_41 : vector<128x1xi32> to vector<128x1024xi32>
    %eq3A_43 = arith.cmpi eq, %iota3A, %eq3A_42 : vector<128x1024xi32>
    %convert_element_type3A_44 = arith.extui %eq3A_43 : vector<128x1024xi1> to vector<128x1024xi32>
    %add3A_45 = arith.addi %add3A_38, %convert_element_type3A_44 : vector<128x1024xi32>
    %get3A_46 = arith.constant 0 : index
    %get3A_47 = arith.constant 7 : index
    %get3A_48 = vector.load %arg0[%get3A_46, %get3A_47] : memref<128x10xi32, #tpu.memory_space<vmem>>, vector<128x1xi32>
    %eq3A_49 = vector.broadcast %get3A_48 : vector<128x1xi32> to vector<128x1024xi32>
    %eq3A_50 = arith.cmpi eq, %iota3A, %eq3A_49 : vector<128x1024xi32>
    %convert_element_type3A_51 = arith.extui %eq3A_50 : vector<128x1024xi1> to vector<128x1024xi32>
    %add3A_52 = arith.addi %add3A_45, %convert_element_type3A_51 : vector<128x1024xi32>
    %get3A_53 = arith.constant 0 : index
    %get3A_54 = arith.constant 8 : index
    %get3A_55 = vector.load %arg0[%get3A_53, %get3A_54] : memref<128x10xi32, #tpu.memory_space<vmem>>, vector<128x1xi32>
    %eq3A_56 = vector.broadcast %get3A_55 : vector<128x1xi32> to vector<128x1024xi32>
    %eq3A_57 = arith.cmpi eq, %iota3A, %eq3A_56 : vector<128x1024xi32>
    %convert_element_type3A_58 = arith.extui %eq3A_57 : vector<128x1024xi1> to vector<128x1024xi32>
    %add3A_59 = arith.addi %add3A_52, %convert_element_type3A_58 : vector<128x1024xi32>
    %get3A_60 = arith.constant 0 : index
    %get3A_61 = arith.constant 9 : index
    %get3A_62 = vector.load %arg0[%get3A_60, %get3A_61] : memref<128x10xi32, #tpu.memory_space<vmem>>, vector<128x1xi32>
    %eq3A_63 = vector.broadcast %get3A_62 : vector<128x1xi32> to vector<128x1024xi32>
    %eq3A_64 = arith.cmpi eq, %iota3A, %eq3A_63 : vector<128x1024xi32>
    %convert_element_type3A_65 = arith.extui %eq3A_64 : vector<128x1024xi1> to vector<128x1024xi32>
    %add3A_66 = arith.addi %add3A_59, %convert_element_type3A_65 : vector<128x1024xi32>
    %reduce_max3A = arith.constant dense<-2147483648> : vector<128xi32>
    %reduce_max3A_67 = vector.multi_reduction <maxsi>, %add3A_66, %reduce_max3A [1] : vector<128x1024xi32> to vector<128xi32>
    %broadcast_in_dim3A_68 = vector.shape_cast %reduce_max3A_67 : vector<128xi32> to vector<128x1xi32>
    %eq3A_69 = vector.broadcast %broadcast_in_dim3A_68 : vector<128x1xi32> to vector<128x1024xi32>
    %eq3A_70 = arith.cmpi eq, %add3A_66, %eq3A_69 : vector<128x1024xi32>
    %jit3A = arith.constant 1073741824 : i32
    %broadcast_in_dim3A_71 = vector.broadcast %jit3A : i32 to vector<128x1024xi32>
    %select_n3A = arith.select %eq3A_70, %iota3A, %broadcast_in_dim3A_71 : vector<128x1024xi1>, vector<128x1024xi32>
    %reduce_min3A = arith.constant dense<2147483647> : vector<128xi32>
    %reduce_min3A_72 = vector.multi_reduction <minsi>, %select_n3A, %reduce_min3A [1] : vector<128x1024xi32> to vector<128xi32>
    %broadcast_in_dim3A_73 = vector.shape_cast %reduce_min3A_72 : vector<128xi32> to vector<128x1xi32>
    %swap3A = arith.constant 0 : index
    %swap3A_74 = arith.constant 0 : index
    %swap3A_75 = vector.load %arg1[%swap3A, %swap3A_74] : memref<128x1xi32, #tpu.memory_space<vmem>>, vector<128x1xi32>
    tpu.vector_store %arg1[%swap3A, %swap3A_74], %broadcast_in_dim3A_73 {strides = array<i32>} : memref<128x1xi32, #tpu.memory_space<vmem>>, vector<128x1xi32>,
    return
  }
}

</mosaic_0001>

<sc_bundles>
// kernel: kernel.5.cloned.1.call-start
scs
__scs_entry_jumppad:
0x0: {  	(pc) =	sbr.rel $0x88, $3  }
0x1: {  	(tag) =	ssettag $0x0;
	lr =	simm.s32 $0x1  }
0x2: {  	[smem:$0x3F9E] =	sst lr;
	_ =	strace $0xD0000000  }
0x3: {  	_ = 	snop  }
0x4: {  	_ = 	snop  }
0x5: {  	_ = 	snop  }
0x6: {  	_ = 	snop  }
0x7: {  	_ = 	snop  }
__scs_overlays_trampoline_lowered:
0x8: {  	[smem:$0x3FAD] =	sst s0  }
0x9: {  	[smem:$0x3FAE] =	sst s1  }
0xa: {  	[smem:$0x3FAF] =	sst s2  }
0xb: {  	[smem:$0x3FB0] =	sst s3  }
0xc: {  	[smem:$0x3FB1] =	sst s4  }
0xd: {  	[smem:$0x3FB2] =	sst s5  }
0xe: {  	[smem:$0x3FB3] =	sst s6  }
0xf: {  	[smem:$0x3FB4] =	sst s7  }
0x10: {  	[smem:$0x3FB5] =	sst s8  }
0x11: {  	[smem:$0x3FB6] =	sst s9;
	s0 =	simm.s32 @!p0 $0x0  }
0x12: {  	s1 =	sld [smem:$0x3F9C];
	s0 =	simm.s32 @p0 $0x1  }
0x13: {  	[smem:$0x3FB7] =	sst s0;
	s0 =	simm.s32 @!p1 $0x0  }
0x14: {  	s2 =	sld [smem:$0x3F9B];
	s0 =	simm.s32 @p1 $0x1  }
0x15: {  	[smem:$0x3FB8] =	sst s0;
	s0 =	simm.s32 @!p2 $0x0  }
0x16: {  	s3 =	sld [smem:$0x3FDB];
	s0 =	simm.s32 @p2 $0x1  }
0x17: {  	s4 =	simm.s32 $0x1BF5;
	[smem:$0x3FBA] =	sst s0  }
0x18: {  	s0 =	sld [smem:$0x3F9D];
	_ =	swait.ge [sflag:s4], $0x0  }
0x19: {  	s7 =	sld [smem:$0x3F9E]  }
0x1a: {  	s8 =	sadd.s32 $0xFFFFE003, lr  }
0x1b: {  	s9 =	sadd.s32 $0xFFFFFEF7, lr;
	s5 =	simm.s32 $0xFFFFFFFF;
	p2 =	slt.u32 s8, $0xFFFFF086  }
0x1c: {  	p1 =	slt.u32 s9, $0xF7A;
	s5 =	simm.s32 @!p2 $0x0  }
0x1d: {  	s5 =	simm.s32 @p1 $0x1;
	p0 =	seq.s32 s7, s2  }
0x1e: {  	s7 =	smul.u32 @!p0 $0xF7A, s2;
	p2 =	seq.s32 @!p0 s5, $0x0  }
0x1f: {  	s9 =	smul.u32 $0xF7A, s1;
	s8 =	simm.s32 @!p0 $0x1BF5;
	p2 =	por !p2, p0  }
0x20: {  	[sflag:s8] =	ssyncset.s32 @!p0 $0xFFFFF086;
	s6 =	sadd.s32 @!p0 s3, s7;
	s7 =	simm.s32 @!p0 $0x108  }
0x21: {  	s3 =	sadd.s32 s3, s9;
	s6 =	sadd.s32 @!p0 $0x88, s6;
	s7 =	simm.s32 @p2 $0x1082  }
0x22: {  	[simem:s7], [sflag:s8] =	dma.local @!p0 [hbm:s6], $0xF7A  }
0x23: {  	s9 =	sor.u32 $0xD0000000, s2;
	s6 =	simm.s32 $0x108;
	_ =	swait.ge @!p0 [sflag:s8], $0x0  }
0x24: {  	s3 =	sadd.s32 $0x88, s3;
	s6 =	simm.s32 @!p1 $0x1082;
	[sflag:s4] =	ssyncset.s32 $0xFFFFF086  }
0x25: {  	[simem:s6], [sflag:s4] =	dma.local [hbm:s3], $0xF7A  }
0x26: {  	[smem:$0x3F9E] =	sst s1;
	(tag) =	ssettag s2;
	_ =	strace s9  }
0x27: {  	s1 =	sld [smem:$0x3FAE]  }
0x28: {  	s2 =	sld [smem:$0x3FAF]  }
0x29: {  	s4 =	sld [smem:$0x3FB1]  }
0x2a: {  	p0 =	seq.s32 s5, $0x0;
	s5 =	sld [smem:$0x3FB2]  }
0x2b: {  	s6 =	sld [smem:$0x3FB3]  }
0x2c: {  	s7 =	sld [smem:$0x3FB4]  }
0x2d: {  	s3 =	simm.s32 $0x108;
	s8 =	sld [smem:$0x3FB5]  }
0x2e: {  	s3 =	simm.s32 @!p0 $0x1082;
	s9 =	sld [smem:$0x3FB6]  }
0x2f: {  	lr =	sadd.s32 s0, s3;
	s0 =	sld [smem:$0x3FAD]  }
0x30: {  	s3 =	sld [smem:$0x3FB0]  }
0x31: {  	[smem:$0x3FB9] =	sst s10  }
0x32: {  	s10 =	sld [smem:$0x3FB7];
	_ =	sdelay $0x3  }
0x33: {  	p0 =	seq.s32 s10, $0x1;
	s10 =	sld [smem:$0x3FB9];
	_ =	sdelay $0x3  }
0x34: {  	[smem:$0x3FB9] =	sst s10  }
0x35: {  	s10 =	sld [smem:$0x3FB8];
	_ =	sdelay $0x3  }
0x36: {  	p1 =	seq.s32 s10, $0x1;
	s10 =	sld [smem:$0x3FB9];
	_ =	sdelay $0x3  }
0x37: {  	[smem:$0x3FB9] =	sst s10  }
0x38: {  	s10 =	sld [smem:$0x3FBA]  }
0x39: {  	_ = 	snop;
	(pc) =	sbr.ind lr, $3  }
0x3a: {  	_ = 	snop  }
0x3b: {  	_ = 	snop  }
0x3c: {  	p2 =	seq.s32 s10, $0x1;
	s10 =	sld [smem:$0x3FB9]  }
0x3d: {  	_ =	shalt  }
0x3e: {  	_ =	shalt  }
0x3f: {  	_ =	shalt  }
0x40: {  	_ =	shalt  }
0x41: {  	_ =	shalt  }
0x42: {  	_ =	shalt  }
0x43: {  	_ =	shalt  }
0x44: {  	_ =	shalt  }
0x45: {  	_ =	shalt  }
0x46: {  	_ =	shalt  }
0x47: {  	_ =	shalt  }
0x48: {  	_ =	shalt  }
0x49: {  	_ =	shalt  }
0x4a: {  	_ =	shalt  }
0x4b: {  	_ =	shalt  }
0x4c: {  	_ =	shalt  }
0x4d: {  	_ =	shalt  }
0x4e: {  	_ =	shalt  }
0x4f: {  	_ =	shalt  }
0x50: {  	_ =	shalt  }
0x51: {  	_ =	shalt  }
0x52: {  	_ =	shalt  }
0x53: {  	_ =	shalt  }
0x54: {  	_ =	shalt  }
0x55: {  	_ =	shalt  }
0x56: {  	_ =	shalt  }
0x57: {  	_ =	shalt  }
0x58: {  	_ =	shalt  }
0x59: {  	_ =	shalt  }
0x5a: {  	_ =	shalt  }
0x5b: {  	_ =	shalt  }
0x5c: {  	_ =	shalt  }
0x5d: {  	_ =	shalt  }
0x5e: {  	_ =	shalt  }
0x5f: {  	_ =	shalt  }
0x60: {  	_ =	shalt  }
0x61: {  	_ =	shalt  }
0x62: {  	_ =	shalt  }
0x63: {  	_ =	shalt  }
0x64: {  	_ =	shalt  }
0x65: {  	_ =	shalt  }
0x66: {  	_ =	shalt  }
0x67: {  	_ =	shalt  }
0x68: {  	_ =	shalt  }
0x69: {  	_ =	shalt  }
0x6a: {  	_ =	shalt  }
0x6b: {  	_ =	shalt  }
0x6c: {  	_ =	shalt  }
0x6d: {  	_ =	shalt  }
0x6e: {  	_ =	shalt  }
0x6f: {  	_ =	shalt  }
0x70: {  	_ =	shalt  }
0x71: {  	_ =	shalt  }
0x72: {  	_ =	shalt  }
0x73: {  	_ =	shalt  }
0x74: {  	_ =	shalt  }
0x75: {  	_ =	shalt  }
0x76: {  	_ =	shalt  }
0x77: {  	_ =	shalt  }
0x78: {  	_ =	shalt  }
0x79: {  	_ =	shalt  }
0x7a: {  	_ =	shalt  }
0x7b: {  	_ =	shalt  }
0x7c: {  	_ =	shalt  }
0x7d: {  	_ =	shalt  }
0x7e: {  	_ =	shalt  }
0x7f: {  	_ =	shalt  }
0x80: {  	_ =	shalt  }
0x81: {  	_ =	shalt  }
0x82: {  	_ =	shalt  }
0x83: {  	_ =	shalt  }
0x84: {  	_ =	shalt  }
0x85: {  	_ =	shalt  }
0x86: {  	_ =	shalt  }
0x87: {  	_ =	shalt  }
.Lfunc_end0:
.L_simem_size_0:
called_computation_lowered:
.L_overlay_start_0:
0x88: {  	s2 =	sld [smem:$0x3FD9]  }
0x89: {  	s3 =	sld [smem:$0x3FFE];
	_ =	sdelay $0x1  }
0x8a: {  	s1 =	srdreg.scid  }
0x8b: {  	s0 =	sand.u32 $0x1, s1  }
0x8c: {  	s14 =	sshll.u32 s0, $0xA;
	s2 =	sadd.s32 s3, s2  }
0x8d: {  	s2 =	sadd.s32 s2, s14  }
0x8e: {  	[smem:$0x3FC5] =	sst s2  }
0x8f: {  	_ = 	snop  }
0x90: {  	s2 =	sld [smem:$0x3FD0];
	_ =	sdelay $0x2  }
0x91: {  	s4 =	simm.s32 $0xA;
	s5 =	simm.s32 $0x10;
	s15 =	sld [smem:$0x3FC7]  }
0x92: {  	[smem:s5], [sflag:s4] =	dma.local [hbm:s2], $0x1  }
0x93: {  	_ =	swait.eq [sflag:s4], $0x1  }
0x94: {  	[sflag:s4] =	ssyncset.done $0x0  }
0x95: {  	[sflag:s4] =	ssyncadd.s32 $0xFFFFFFFF  }
0x96: {  	s16 =	sld [smem:$0x12];
	(tm) =	ssettm $0x1  }
0x97: {  	s17 =	sld [smem:$0x3FFB];
	_ =	sdelay $0x3  }
0x98: {  	_ =	strace s17  }
0x99: {  	s4 =	sld [smem:$0x3FFC];
	_ =	sdelay $0x3  }
0x9a: {  	_ =	strace s4  }
0x9b: {  	s4 =	sld [smem:$0x3FFD];
	_ =	sdelay $0x3  }
0x9c: {  	_ =	strace s4  }
0x9d: {  	_ =	strace $0x8FFFFFFF  }
0x9e: {  	s18 =	sld [smem:$0x3FDB];
	_ =	sdelay $0x1  }
0x9f: {  	s19 =	simm.s32 $_scs_section_size  }
0xa0: {  	s6 =	simm.s32 $_size__tile_overlayer_lowered;
	s7 =	simm.s32 $_tile_overlayer_lowered  }
0xa1: {  	s22 =	simm.s32 $0x1BFF;
	s21 =	sshll.u32 s7, $0x1;
	s4 =	sadd.s32 s19, s18  }
0xa2: {  	s8 =	simm.s32 $0x0;
	s20 =	sshll.u32 s6, $0x1;
	s6 =	sadd.s32 s21, s4  }
0xa3: {  	[timem:s8], [sflag:s22] =	dma.local [hbm:s6], s20  }
0xa4: {  	_ =	swait.ge [sflag:s22], s20  }
0xa5: {  	s5 =	ssub.s32 $0x0, s20;
	[sflag:s22] =	ssyncset.done $0x0  }
0xa6: {  	[sflag:s22] =	ssyncadd.s32 s5;
	_ =	sdelay $0x1  }
0xa7: {  	s23 =	simm.s32 $0x1B8B  }
0xa8: {  	_ =	swait.ge [sflag:s23], $0x1  }
0xa9: {  	[sflag:s23] =	ssyncset.done $0x0  }
0xaa: {  	s25 =	simm.s32 $0x1B8E;
	s24 =	sld [smem:$0x3FFE];
	[sflag:s23] =	ssyncadd.s32 $0xFFFFFFFF  }
0xab: {  	s26 =	simm.s32 $execute0_lowered;
	[smem:$0x3FD2] =	sst s25  }
0xac: {  	s6 =	sshll.u32 s26, $0x1;
	_ =	strace $0x80000046;
	[dreg:$0x1] =	wrdreg $0xFFFFFFFF  }
0xad: {  	s28 =	simm.s32 $_size_execute0_lowered;
	s4 =	sadd.s32 s4, s6;
	[dreg:$0x0] =	wrdreg $0x0  }
0xae: {  	s6 =	sshll.u32 s28, $0x1;
	[dreg:$0x2] =	wrdreg s4  }
0xaf: {  	[dreg:$0x3] =	wrdreg s6  }
0xb0: {  	[dreg:$0x4] =	wrdreg $0xC0  }
0xb1: {  	_ =	task [dreg:s8], $0x5FFFF  }
0xb2: {  	[dreg:$0x1] =	wrdreg $0xFFFFFFFF  }
0xb3: {  	[dreg:$0x0] =	wrdreg $0x60  }
0xb4: {  	[dreg:$0x2] =	wrdreg s15  }
0xb5: {  	[dreg:$0x3] =	wrdreg s16  }
0xb6: {  	[dreg:$0x4] =	wrdreg s24  }
0xb7: {  	[dreg:$0x5] =	wrdreg $0x9  }
0xb8: {  	_ =	task.clear_ibuf [dreg:s8], $0x6FFFF;
	_ =	strace $0x90000046  }
0xb9: {  	s29 =	simm.s32 $0x9;
	_ =	strace $0x80000048  }
0xba: {  	_ =	swait.ge [sflag:s29], $0x1  }
0xbb: {  	[sflag:s29] =	ssyncadd.s32 $0xFFFFFFFF  }
0xbc: {  	_ =	strace $0x90000048  }
0xbd: {  	_ =	sfence  }
0xbe: {  	s30 =	sld [smem:$0x0];
	_ =	sdelay $0x2  }
0xbf: {  	s31 =	sshll.u32 s1, $0xD;
	s1 =	sshrl.u32 s1, $0x2  }
0xc0: {  	s3 =	sand.u32 $0x4000, s31;
	s1 =	sadd.s32 s1, s30  }
0xc1: {  	s0 =	sor.u32 s3, s0;
	s1 =	sshll.u32 s1, $0x11  }
0xc2: {  	s0 =	sor.u32 s1, s0  }
0xc3: {  	s0 =	sadd.s32 $0x8F2B, s0  }
0xc4: {  	[sflag:s0] =	ssyncadd.remote.s32 $0x1  }
0xc5: {  	_ =	sfence.sel $0xFFFF  }
0xc6: {  	[dreg:$0x0] =	wrdreg $0xFFFFFFFF;
	(pc) =	sbr.abs _section_cstart, $3  }
0xc7: {  	[dreg:$0x1] =	wrdreg $0xFFFFFFFF  }
0xc8: {  	_ =	task.clear_ibuf [dreg:s8], $0x2FFFF;
	_ =	strace $0x9FFFFFFF  }
0xc9: {  	(tm) =	ssettm $0x7FFFFFFF  }
tec
execute0_lowered:
.L_overlay_start_1:
0x0: {  	(tag) =	ssettag $0x1  }
0x1: {  	s1 =	rddreg [dreg:$0x0]  }
0x2: {  	s2 =	srdreg.scid;
	s0 =	stileid.u32  }
0x3: {  	s4 =	rddreg [dreg:$0x1];
	s6 =	sand.u32 $0x1, s2;
	s30 =	sshll.u32 s0, $0x1  }
0x4: {  	s9 =	rddreg [dreg:$0x2];
	s3 =	simm.s32 $0x0;
	s5 =	sor.u32 s6, s30  }
0x5: {  	[smem:$0x7FF] =	sst s3;
	s10 =	smul.u32 $0x6, s5  }
0x6: {  	s7 =	simm.s32 $0x80;
	s2 =	rddreg [dreg:$0x3];
	_ =	strace $0x80000047  }
0x7: {  	s11 =	ssub.s32 $0x2, s6;
	s5 =	sadd.s32 s4, s10;
	s4 =	simm.s32 $0x2  }
0x8: {  	[tilespmem:s3], [sflag:$0x2] =	stream.linear.gather [hbm4b:s5+s3], $0x30, $0x38;
	[tilespmem:$0x100] =	vst v63  }
0x9: {  	s8 =	simm.s32 $0x1;
	s12 =	sshrl.u32 s11, $0x1;
	_ =	swait.ge [sflag:s4], $0x30  }
0xa: {  	s6 =	simm.s32 $0x30;
	s31 =	ssub.s32 s11, s12;
	[sflag:s4] =	ssyncset.done $0x0  }
0xb: {  	s9 =	sadd.s32 s10, s9;
	s10 =	smax.u32 s31, $0x1;
	[sflag:s4] =	ssyncadd.s32 $0xFFFFFFD0  }
0xc: {  	[tilespmem:s7], [sflag:$0x1] =	stream.indirect.gather [hbm4b:s1+s6], $0x1, s3, s6, $0xb8;
	[tilespmem:$0x100] =	vst v63  }
0xd: {  	p0 =	sne.s32 s10, $0x1;
	_ =	swait.ge [sflag:s8], $0x30  }
.Ltmp0:
0xe: {  	[sflag:s8] =	ssyncset.done $0x0;
	(pc) =	sbr.rel @!p0 .LBB2_2-.Ltmp0, $4  }
0xf: {  	s9 =	sadd.s32 $0x400, s9;
	[sflag:s8] =	ssyncadd.s32 $0xFFFFFFD0  }
0x10: {  	[hbm4b:s9+s3] =	stream.linear.scatter [tilespmem:s7], [sflag:$0x2], $0x30, $0x38;
	[tilespmem:$0x100] =	vst v63  }
0x11: {  	_ =	swait.ge [sflag:s4], $0x30  }
0x12: {  	s10 =	sadd.s32 $0xFFFFFFFF, s10;
	[sflag:s4] =	ssyncset.done $0x0  }
.LBB2_1:
0x13: {  	p0 =	sne.s32 s10, $0x1;
	s10 =	sadd.s32 $0xFFFFFFFF, s10;
	[sflag:s4] =	ssyncadd.s32 $0xFFFFFFD0  }
0x14: {  	[tilespmem:s3], [sflag:$0x2] =	stream.linear.gather [hbm4b:s5+s3], $0x30, $0x38;
	[tilespmem:$0x100] =	vst v63  }
0x15: {  	_ =	swait.ge [sflag:s4], $0x30  }
0x16: {  	[sflag:s4] =	ssyncset.done $0x0  }
0x17: {  	[sflag:s4] =	ssyncadd.s32 $0xFFFFFFD0  }
0x18: {  	[tilespmem:s7], [sflag:$0x1] =	stream.indirect.gather [hbm4b:s1+s6], $0x1, s3, s6, $0xb8;
	[tilespmem:$0x100] =	vst v63  }
0x19: {  	_ =	swait.ge [sflag:s8], $0x30  }
.Ltmp1:
0x1a: {  	[sflag:s8] =	ssyncset.done $0x0;
	(pc) =	sbr.rel @p0 .LBB2_1-.Ltmp1, $4  }
0x1b: {  	[sflag:s8] =	ssyncadd.s32 $0xFFFFFFD0  }
0x1c: {  	[hbm4b:s9+s3] =	stream.linear.scatter [tilespmem:s7], [sflag:$0x2], $0x30, $0x38;
	[tilespmem:$0x100] =	vst v63  }
0x1d: {  	_ =	swait.ge [sflag:s4], $0x30  }
0x1e: {  	[sflag:s4] =	ssyncset.done $0x0  }
.LBB2_2:
0x1f: {  	[sflag:s4] =	ssyncadd.s32 $0xFFFFFFD0  }
0x20: {  	_ =	sfence.sel $0x180000  }
0x21: {  	[bflag:$0x0] =	sbarrier.arrive $0xFFFF  }
0x22: {  	p0 =	sne.s32 s0, $0x0;
	_ =	strace $0x90000047  }
0x23: {  	s0 =	sadd.s32 @!p0 $0x100000, s2;
	[bflag:$0x2] =	sbarrier.arrive $0xFFFF  }
0x24: {  	[sflag:s0] =	ssyncadd.tile.s32 @!p0 $0x1;
	_ =	shalt  }
.Lfunc_end2:
_tile_overlayer_lowered:
.L_overlay_start_2:
0x25: {  	(tag) =	ssettag $0x2  }
0x26: {  	s0 =	rddreg [dreg:$0x0];
	s2 =	stileid.u32  }
0x27: {  	s1 =	rddreg [dreg:$0x1];
	p0 =	sne.s32 s2, $0x0  }
0x28: {  	s3 =	rddreg [dreg:$0x2];
	[bflag:$0x3] =	sbarrier.arrive $0xFFFF;
	s2 =	simm.s32 @!p0 $0x1C02  }
0x29: {  	[timem:s3], [sflag:s2] =	dma.local @!p0 [hbm:s0], s1  }
0x2a: {  	s0 =	simm.s32 @!p0 $0x2  }
0x2b: {  	_ =	swait.ge @!p0 [sflag:s0], s1  }
0x2c: {  	s1 =	ssub.s32 @!p0 $0x0, s1;
	[sflag:s0] =	ssyncset.done @!p0 $0x0  }
0x2d: {  	[sflag:s0] =	ssyncadd.s32 @!p0 s1  }
0x2e: {  	[bflag:$0x3] =	sbarrier.arrive $0xFFFF  }
0x2f: {  	_ =	shalt  }

</sc_bundles>
